<compile_context>
chip_gen: v7x
topology: tpu7x:2x2x1
jax: 0.10.2.dev20260603
libtpu: 0.0.44.dev20260713+nightly
codegen_flags: <defaults>
</compile_context>

<pallas_src>
import functools

import jax
import jax.numpy as jnp
from jax import lax
from jax.experimental import pallas as pl
from jax.experimental.pallas import tpu as pltpu
from jax.experimental.pallas import tpu_sc as plsc

VOCAB = 1000000
HIDDEN = 64
BATCH = 16384
HIST = 50

NC = 2
NS = 16
NW = NC * NS

CHUNK = 128
IPW = BATCH // NW
TPW = IPW // CHUNK
NBUF = 5

PAD = 128
TBLK = 16384


def _tc_table_transpose():

  def body(wt_ref, out_ref):
    out_ref[:, 0:HIDDEN] = wt_ref[...].T

  grid = (VOCAB + TBLK - 1) // TBLK
  return pl.pallas_call(
      body,
      grid=(grid,),
      in_specs=[pl.BlockSpec((HIDDEN, TBLK), lambda i: (0, i))],
      out_specs=pl.BlockSpec((TBLK, PAD), lambda i: (i, 0)),
      out_shape=jax.ShapeDtypeStruct((VOCAB, PAD), jnp.float32),
  )


def _sc_gather():
  mesh = plsc.VectorSubcoreMesh(
      core_axis_name="c", subcore_axis_name="s", num_cores=NC, num_subcores=NS
  )

  @functools.partial(
      pl.kernel,
      out_type=jax.ShapeDtypeStruct((HIST, BATCH, PAD), jnp.float32),
      mesh=mesh,
      scratch_types=[
          pltpu.VMEM((HIST * TPW, CHUNK), jnp.int32),
          [pltpu.VMEM((CHUNK, PAD), jnp.float32) for _ in range(NBUF)],
          [pltpu.SemaphoreType.DMA for _ in range(NBUF)],
          [pltpu.SemaphoreType.DMA for _ in range(NBUF)],
      ],
      compiler_params=pltpu.CompilerParams(use_tc_tiling_on_sc=True),
  )
  def k(idx_hbm, table_hbm, out_hbm, idx_v, bufs, g_sems, w_sems):
    wid = lax.axis_index("s") * NC + lax.axis_index("c")
    ibase = wid * IPW
    pltpu.sync_copy(idx_hbm.at[wid], idx_v)

    def gather(c, b):
      pltpu.async_copy(table_hbm.at[idx_v.at[c]], bufs[b], g_sems[b])

    def gather_wait(c, b):
      pltpu.make_async_copy(table_hbm.at[idx_v.at[c]], bufs[b], g_sems[b]).wait()

    def _dst(c):
      return out_hbm.at[c // TPW, pl.ds(ibase + (c % TPW) * CHUNK, CHUNK), :]

    def wb(c, b):
      pltpu.async_copy(bufs[b], _dst(c), w_sems[b])

    def wb_wait(c, b):
      pltpu.make_async_copy(bufs[b], _dst(c), w_sems[b]).wait()

    nsteps = HIST * TPW
    for b in range(NBUF):
      gather(b, b)

    @pl.loop(NBUF, nsteps, step=NBUF)
    def _(c):
      for b in range(NBUF):
        gather_wait(c - NBUF + b, b)
        wb(c - NBUF + b, b)
      for b in range(NBUF):
        wb_wait(c - NBUF + b, b)
        gather(c + b, b)

    for b in range(NBUF):
      gather_wait(nsteps - NBUF + b, b)
      wb(nsteps - NBUF + b, b)
    for b in range(NBUF):
      wb_wait(nsteps - NBUF + b, b)

  return k


IB = 8192
JB = 2


def _tc_out_transpose():

  def body(in_ref, out_ref):
    for q in range(JB):
      out_ref[q * HIDDEN:(q + 1) * HIDDEN, :] = in_ref[q, :, 0:HIDDEN].T

  return pl.pallas_call(
      body,
      grid=(HIST // JB, BATCH // IB),
      in_specs=[pl.BlockSpec((JB, IB, PAD), lambda j, b: (j, b, 0))],
      out_specs=pl.BlockSpec((JB * HIDDEN, IB), lambda j, b: (j, b)),
      out_shape=jax.ShapeDtypeStruct((HIST * HIDDEN, BATCH), jnp.float32),
  )


_table_transpose_call = _tc_table_transpose()
_gather_call = _sc_gather()
_out_transpose_call = _tc_out_transpose()


@jax.jit
def kernel(v, weight):
  wt = jnp.swapaxes(weight, 0, 1)
  table = _table_transpose_call(wt)
  idx = (
      jnp.swapaxes(v, 0, 1)
      .reshape(HIST, NW, TPW, CHUNK)
      .transpose(1, 0, 2, 3)
      .reshape(NW, HIST * TPW, CHUNK)
  )
  rows = _gather_call(idx, table)
  out_t = _out_transpose_call(rows)
  return out_t.reshape(HIST, HIDDEN, BATCH).transpose(2, 0, 1)

# --- scband reference (transcript-rebuilt; emitter-appended) ---
"""Pipeline reference for scband-symbolic-visual-extractor-60026462929164 (READ-ONLY COPY).

The authoritative reference and input builder live on the scoring server;
editing this copy changes nothing except your own understanding.
"""

import jax, jax.numpy as jnp
import numpy as np

VOCAB = 1000000
HIDDEN = 64
BATCH = 16384
HIST = 50
INIT_RANGE = 1.0

def setup_inputs(seed: int = 0) -> dict:
    key = jax.random.key(seed)
    k_idx, k_w = jax.random.split(key)
    v = jax.random.randint(k_idx, (BATCH, HIST), 0, VOCAB, dtype=jnp.int64 if jax.config.jax_enable_x64 else jnp.int32)
    weight = jax.random.uniform(k_w, (VOCAB, HIDDEN), dtype=jnp.float32, minval=-INIT_RANGE, maxval=INIT_RANGE)
    return {"v": v, "weight": weight}

def reference(v, weight):
    # Faithful translation of torch.nn.Embedding lookup: out[i, j] = weight[v[i, j]]
    return jnp.take(weight, v, axis=0)

if __name__ == "__main__":
    import jax
    _d = setup_inputs()
    print(jax.jit(kernel)(*tuple(_d.values())))

</pallas_src>

<mosaic_0001>
#map = affine_map<(d0, d1) -> (0, 0, 0)>
#map1 = affine_map<(d0, d1) -> (0, 0)>
module attributes {stable_mosaic.version = 14 : i64} {
  func.func @k(%arg0: i32, %arg1: i32, %arg2: memref<32x200x128xi32, #tpu.memory_space<hbm>>, %arg3: memref<1000000x128xf32, #tpu.memory_space<hbm>>, %arg4: memref<50x16384x128xf32, #tpu.memory_space<hbm>>, %arg5: memref<200x128xi32, #tpu.memory_space<vmem>>, %arg6: memref<128x128xf32, #tpu.memory_space<vmem>>, %arg7: memref<128x128xf32, #tpu.memory_space<vmem>>, %arg8: memref<128x128xf32, #tpu.memory_space<vmem>>, %arg9: memref<128x128xf32, #tpu.memory_space<vmem>>, %arg10: memref<128x128xf32, #tpu.memory_space<vmem>>, %arg11: memref<!tpu.dma_semaphore, #tpu.memory_space<semaphore_mem>>, %arg12: memref<!tpu.dma_semaphore, #tpu.memory_space<semaphore_mem>>, %arg13: memref<!tpu.dma_semaphore, #tpu.memory_space<semaphore_mem>>, %arg14: memref<!tpu.dma_semaphore, #tpu.memory_space<semaphore_mem>>, %arg15: memref<!tpu.dma_semaphore, #tpu.memory_space<semaphore_mem>>, %arg16: memref<!tpu.dma_semaphore, #tpu.memory_space<semaphore_mem>>, %arg17: memref<!tpu.dma_semaphore, #tpu.memory_space<semaphore_mem>>, %arg18: memref<!tpu.dma_semaphore, #tpu.memory_space<semaphore_mem>>, %arg19: memref<!tpu.dma_semaphore, #tpu.memory_space<semaphore_mem>>, %arg20: memref<!tpu.dma_semaphore, #tpu.memory_space<semaphore_mem>>) attributes {dimension_semantics = [#tpu.dimension_semantics<core_parallel>, #tpu.dimension_semantics<subcore_parallel>], iteration_bounds = array<i64: 2, 16>, scalar_prefetch = 0 : i64, scratch_operands = 16 : i64, tpu.core_type = #tpu.core_type<sc_vector_subcore>, window_params = [{transform_indices = #map}, {transform_indices = #map1}, {transform_indices = #map}]} {
    %mul3A = arith.constant 2 : i32
    %mul3A_0 = arith.muli %arg1, %mul3A : i32
    %add3A = arith.addi %mul3A_0, %arg0 : i32
    %mul3A_1 = arith.constant 512 : i32
    %mul3A_2 = arith.muli %add3A, %mul3A_1 : i32
    "tpu.region"() ({
      %run_scoped3A = tpu.sem_alloc : memref<!tpu.dma_semaphore, #tpu.memory_space<semaphore_mem>>
      %dma_start3A_165 = arith.constant 0 : i32
      %dma_start3A_166 = arith.constant 0 : i32
      %dma_start3A_167 = tpu.memref_slice %arg2[%add3A, %dma_start3A_165, %dma_start3A_166] : memref<32x200x128xi32, #tpu.memory_space<hbm>> -> memref<1x200x128xi32, #tpu.memory_space<hbm>>
      %dma_start3A_168 = tpu.memref_squeeze %dma_start3A_167 : memref<1x200x128xi32, #tpu.memory_space<hbm>> -> memref<200x128xi32, #tpu.memory_space<hbm>>
      %dma_start3A_169 = arith.constant 0 : i32
      %dma_start3A_170 = arith.constant 0 : i32
      %dma_start3A_171 = tpu.memref_slice %arg2[%add3A, %dma_start3A_169, %dma_start3A_170] : memref<32x200x128xi32, #tpu.memory_space<hbm>> -> memref<1x200x128xi32, #tpu.memory_space<hbm>>
      %dma_start3A_172 = tpu.memref_squeeze %dma_start3A_171 : memref<1x200x128xi32, #tpu.memory_space<hbm>> -> memref<200x128xi32, #tpu.memory_space<hbm>>
      tpu.enqueue_dma source(%dma_start3A_172 : memref<200x128xi32, #tpu.memory_space<hbm>>) target(%arg5 : memref<200x128xi32, #tpu.memory_space<vmem>>) target_semaphore(%run_scoped3A : memref<!tpu.dma_semaphore, #tpu.memory_space<semaphore_mem>>)
      %dma_wait3A_173 = arith.constant 0 : i32
      %dma_wait3A_174 = arith.constant 0 : i32
      %dma_wait3A_175 = tpu.memref_slice %arg2[%add3A, %dma_wait3A_173, %dma_wait3A_174] : memref<32x200x128xi32, #tpu.memory_space<hbm>> -> memref<1x200x128xi32, #tpu.memory_space<hbm>>
      %dma_wait3A_176 = tpu.memref_squeeze %dma_wait3A_175 : memref<1x200x128xi32, #tpu.memory_space<hbm>> -> memref<200x128xi32, #tpu.memory_space<hbm>>
      %dma_wait3A_177 = arith.constant 0 : i32
      %dma_wait3A_178 = arith.constant 0 : i32
      %dma_wait3A_179 = tpu.memref_slice %arg2[%add3A, %dma_wait3A_177, %dma_wait3A_178] : memref<32x200x128xi32, #tpu.memory_space<hbm>> -> memref<1x200x128xi32, #tpu.memory_space<hbm>>
      %dma_wait3A_180 = tpu.memref_squeeze %dma_wait3A_179 : memref<1x200x128xi32, #tpu.memory_space<hbm>> -> memref<200x128xi32, #tpu.memory_space<hbm>>
      tpu.wait_dma2 semaphore(%run_scoped3A : memref<!tpu.dma_semaphore, #tpu.memory_space<semaphore_mem>>) src(%dma_wait3A_180 : memref<200x128xi32, #tpu.memory_space<hbm>>) dst(%arg5 : memref<200x128xi32, #tpu.memory_space<vmem>>)
      tpu.yield
    }) : () -> ()
    %dma_start3A = arith.constant 0 : i32
    %dma_start3A_3 = arith.constant 0 : i32
    %dma_start3A_4 = tpu.memref_slice %arg5[%dma_start3A, %dma_start3A_3] : memref<200x128xi32, #tpu.memory_space<vmem>> -> memref<1x128xi32, #tpu.memory_space<vmem>>
    %dma_start3A_5 = tpu.memref_squeeze %dma_start3A_4 : memref<1x128xi32, #tpu.memory_space<vmem>> -> memref<128xi32, #tpu.memory_space<vmem>>
    %dma_start3A_6 = arith.constant 0 : i32
    %dma_start3A_7 = arith.constant 0 : i32
    %dma_start3A_8 = tpu.memref_slice %arg3[%dma_start3A_6, %dma_start3A_7] : memref<1000000x128xf32, #tpu.memory_space<hbm>> -> memref<1000000x128xf32, #tpu.memory_space<hbm>>
    tpu.enqueue_indirect_dma source(%dma_start3A_8 : memref<1000000x128xf32, #tpu.memory_space<hbm>>) target(%arg6 : memref<128x128xf32, #tpu.memory_space<vmem>>) offsets(%dma_start3A_5 : memref<128xi32, #tpu.memory_space<vmem>>) semaphore(%arg11 : memref<!tpu.dma_semaphore, #tpu.memory_space<semaphore_mem>>)
    %dma_start3A_9 = arith.constant 1 : i32
    %dma_start3A_10 = arith.constant 0 : i32
    %dma_start3A_11 = tpu.memref_slice %arg5[%dma_start3A_9, %dma_start3A_10] : memref<200x128xi32, #tpu.memory_space<vmem>> -> memref<1x128xi32, #tpu.memory_space<vmem>>
    %dma_start3A_12 = tpu.memref_squeeze %dma_start3A_11 : memref<1x128xi32, #tpu.memory_space<vmem>> -> memref<128xi32, #tpu.memory_space<vmem>>
    %dma_start3A_13 = arith.constant 0 : i32
    %dma_start3A_14 = arith.constant 0 : i32
    %dma_start3A_15 = tpu.memref_slice %arg3[%dma_start3A_13, %dma_start3A_14] : memref<1000000x128xf32, #tpu.memory_space<hbm>> -> memref<1000000x128xf32, #tpu.memory_space<hbm>>
    tpu.enqueue_indirect_dma source(%dma_start3A_15 : memref<1000000x128xf32, #tpu.memory_space<hbm>>) target(%arg7 : memref<128x128xf32, #tpu.memory_space<vmem>>) offsets(%dma_start3A_12 : memref<128xi32, #tpu.memory_space<vmem>>) semaphore(%arg12 : memref<!tpu.dma_semaphore, #tpu.memory_space<semaphore_mem>>)
    %dma_start3A_16 = arith.constant 2 : i32
    %dma_start3A_17 = arith.constant 0 : i32
    %dma_start3A_18 = tpu.memref_slice %arg5[%dma_start3A_16, %dma_start3A_17] : memref<200x128xi32, #tpu.memory_space<vmem>> -> memref<1x128xi32, #tpu.memory_space<vmem>>
    %dma_start3A_19 = tpu.memref_squeeze %dma_start3A_18 : memref<1x128xi32, #tpu.memory_space<vmem>> -> memref<128xi32, #tpu.memory_space<vmem>>
    %dma_start3A_20 = arith.constant 0 : i32
    %dma_start3A_21 = arith.constant 0 : i32
    %dma_start3A_22 = tpu.memref_slice %arg3[%dma_start3A_20, %dma_start3A_21] : memref<1000000x128xf32, #tpu.memory_space<hbm>> -> memref<1000000x128xf32, #tpu.memory_space<hbm>>
    tpu.enqueue_indirect_dma source(%dma_start3A_22 : memref<1000000x128xf32, #tpu.memory_space<hbm>>) target(%arg8 : memref<128x128xf32, #tpu.memory_space<vmem>>) offsets(%dma_start3A_19 : memref<128xi32, #tpu.memory_space<vmem>>) semaphore(%arg13 : memref<!tpu.dma_semaphore, #tpu.memory_space<semaphore_mem>>)
    %dma_start3A_23 = arith.constant 3 : i32
    %dma_start3A_24 = arith.constant 0 : i32
    %dma_start3A_25 = tpu.memref_slice %arg5[%dma_start3A_23, %dma_start3A_24] : memref<200x128xi32, #tpu.memory_space<vmem>> -> memref<1x128xi32, #tpu.memory_space<vmem>>
    %dma_start3A_26 = tpu.memref_squeeze %dma_start3A_25 : memref<1x128xi32, #tpu.memory_space<vmem>> -> memref<128xi32, #tpu.memory_space<vmem>>
    %dma_start3A_27 = arith.constant 0 : i32
    %dma_start3A_28 = arith.constant 0 : i32
    %dma_start3A_29 = tpu.memref_slice %arg3[%dma_start3A_27, %dma_start3A_28] : memref<1000000x128xf32, #tpu.memory_space<hbm>> -> memref<1000000x128xf32, #tpu.memory_space<hbm>>
    tpu.enqueue_indirect_dma source(%dma_start3A_29 : memref<1000000x128xf32, #tpu.memory_space<hbm>>) target(%arg9 : memref<128x128xf32, #tpu.memory_space<vmem>>) offsets(%dma_start3A_26 : memref<128xi32, #tpu.memory_space<vmem>>) semaphore(%arg14 : memref<!tpu.dma_semaphore, #tpu.memory_space<semaphore_mem>>)
    %dma_start3A_30 = arith.constant 4 : i32
    %dma_start3A_31 = arith.constant 0 : i32
    %dma_start3A_32 = tpu.memref_slice %arg5[%dma_start3A_30, %dma_start3A_31] : memref<200x128xi32, #tpu.memory_space<vmem>> -> memref<1x128xi32, #tpu.memory_space<vmem>>
    %dma_start3A_33 = tpu.memref_squeeze %dma_start3A_32 : memref<1x128xi32, #tpu.memory_space<vmem>> -> memref<128xi32, #tpu.memory_space<vmem>>
    %dma_start3A_34 = arith.constant 0 : i32
    %dma_start3A_35 = arith.constant 0 : i32
    %dma_start3A_36 = tpu.memref_slice %arg3[%dma_start3A_34, %dma_start3A_35] : memref<1000000x128xf32, #tpu.memory_space<hbm>> -> memref<1000000x128xf32, #tpu.memory_space<hbm>>
    tpu.enqueue_indirect_dma source(%dma_start3A_36 : memref<1000000x128xf32, #tpu.memory_space<hbm>>) target(%arg10 : memref<128x128xf32, #tpu.memory_space<vmem>>) offsets(%dma_start3A_33 : memref<128xi32, #tpu.memory_space<vmem>>) semaphore(%arg15 : memref<!tpu.dma_semaphore, #tpu.memory_space<semaphore_mem>>)
    %scan3A = arith.constant 0 : i32
    %scan3A_37 = arith.constant 39 : i32
    %scan3A_38 = arith.addi %scan3A, %scan3A_37 : i32
    %scan3A_39 = arith.constant 1 : i32
    scf.for %scan3A_165 = %scan3A to %scan3A_38 step %scan3A_39  : i32 {
      %mul3A_166 = arith.constant 5 : i32
      %mul3A_167 = arith.muli %scan3A_165, %mul3A_166 : i32
      %add3A_168 = arith.constant 5 : i32
      %add3A_169 = arith.addi %add3A_168, %mul3A_167 : i32
      %sub3A = arith.constant 5 : i32
      %sub3A_170 = arith.subi %add3A_169, %sub3A : i32
      %add3A_171 = arith.constant 0 : i32
      %add3A_172 = arith.addi %sub3A_170, %add3A_171 : i32
      %dma_wait3A_173 = arith.constant 0 : i32
      %dma_wait3A_174 = tpu.memref_slice %arg5[%add3A_172, %dma_wait3A_173] : memref<200x128xi32, #tpu.memory_space<vmem>> -> memref<1x128xi32, #tpu.memory_space<vmem>>
      %dma_wait3A_175 = tpu.memref_squeeze %dma_wait3A_174 : memref<1x128xi32, #tpu.memory_space<vmem>> -> memref<128xi32, #tpu.memory_space<vmem>>
      %dma_wait3A_176 = arith.constant 0 : i32
      %dma_wait3A_177 = arith.constant 0 : i32
      %dma_wait3A_178 = tpu.memref_slice %arg3[%dma_wait3A_176, %dma_wait3A_177] : memref<1000000x128xf32, #tpu.memory_space<hbm>> -> memref<1000000x128xf32, #tpu.memory_space<hbm>>
      tpu.wait_indirect_dma semaphore(%arg11 : memref<!tpu.dma_semaphore, #tpu.memory_space<semaphore_mem>>) src(%dma_wait3A_178 : memref<1000000x128xf32, #tpu.memory_space<hbm>>) dst(%arg6 : memref<128x128xf32, #tpu.memory_space<vmem>>)
      %sub3A_179 = arith.constant 5 : i32
      %sub3A_180 = arith.subi %add3A_169, %sub3A_179 : i32
      %add3A_181 = arith.constant 0 : i32
      %add3A_182 = arith.addi %sub3A_180, %add3A_181 : i32
      %jit3A = arith.constant 4 : i32
      %div3A = arith.divsi %add3A_182, %jit3A : i32
      %sign3A = arith.constant 0 : i32
      %sign3A_183 = arith.cmpi sgt, %add3A_182, %sign3A : i32
      %sign3A_184 = arith.extui %sign3A_183 : i1 to i32
      %sign3A_185 = arith.constant 0 : i32
      %sign3A_186 = arith.cmpi slt, %add3A_182, %sign3A_185 : i32
      %sign3A_187 = arith.extui %sign3A_186 : i1 to i32
      %sign3A_188 = arith.subi %sign3A_184, %sign3A_187 : i32
      %sign3A_189 = arith.constant 0 : i32
      %sign3A_190 = arith.cmpi sgt, %jit3A, %sign3A_189 : i32
      %sign3A_191 = arith.extui %sign3A_190 : i1 to i32
      %sign3A_192 = arith.constant 0 : i32
      %sign3A_193 = arith.cmpi slt, %jit3A, %sign3A_192 : i32
      %sign3A_194 = arith.extui %sign3A_193 : i1 to i32
      %sign3A_195 = arith.subi %sign3A_191, %sign3A_194 : i32
      %ne3A = arith.cmpi ne, %sign3A_188, %sign3A_195 : i32
      %rem3A = arith.remsi %add3A_182, %jit3A : i32
      %ne3A_196 = arith.constant 0 : i32
      %ne3A_197 = arith.cmpi ne, %rem3A, %ne3A_196 : i32
      %and3A = arith.andi %ne3A, %ne3A_197 : i1
      %sub3A_198 = arith.constant 1 : i32
      %sub3A_199 = arith.subi %div3A, %sub3A_198 : i32
      %select_n3A = arith.select %and3A, %sub3A_199, %div3A : i32
      %jit3A_200 = arith.constant 4 : i32
      %eq3A = arith.constant 0 : i32
      %eq3A_201 = arith.cmpi eq, %jit3A_200, %eq3A : i32
      %jit3A_202 = arith.constant 1 : i32
      %select_n3A_203 = arith.select %eq3A_201, %jit3A_202, %jit3A_200 : i32
      %rem3A_204 = arith.remsi %add3A_182, %select_n3A_203 : i32
      %ne3A_205 = arith.constant 0 : i32
      %ne3A_206 = arith.cmpi ne, %rem3A_204, %ne3A_205 : i32
      %lt3A = arith.constant 0 : i32
      %lt3A_207 = arith.cmpi slt, %rem3A_204, %lt3A : i32
      %lt3A_208 = arith.constant 0 : i32
      %lt3A_209 = arith.cmpi slt, %select_n3A_203, %lt3A_208 : i32
      %ne3A_210 = arith.xori %lt3A_207, %lt3A_209 : i1
      %and3A_211 = arith.andi %ne3A_210, %ne3A_206 : i1
      %add3A_212 = arith.addi %rem3A_204, %select_n3A_203 : i32
      %select_n3A_213 = arith.select %and3A_211, %add3A_212, %rem3A_204 : i32
      %mul3A_214 = arith.constant 128 : i32
      %mul3A_215 = arith.muli %select_n3A_213, %mul3A_214 : i32
      %add3A_216 = arith.addi %mul3A_2, %mul3A_215 : i32
      %dma_start3A_217 = arith.constant 0 : i32
      %dma_start3A_218 = tpu.memref_slice %arg4[%select_n3A, %add3A_216, %dma_start3A_217] : memref<50x16384x128xf32, #tpu.memory_space<hbm>> -> memref<1x128x128xf32, #tpu.memory_space<hbm>>
      %dma_start3A_219 = tpu.memref_squeeze %dma_start3A_218 : memref<1x128x128xf32, #tpu.memory_space<hbm>> -> memref<128x128xf32, #tpu.memory_space<hbm>>
      %dma_start3A_220 = arith.constant 0 : i32
      %dma_start3A_221 = tpu.memref_slice %arg4[%select_n3A, %add3A_216, %dma_start3A_220] : memref<50x16384x128xf32, #tpu.memory_space<hbm>> -> memref<1x128x128xf32, #tpu.memory_space<hbm>>
      %dma_start3A_222 = tpu.memref_squeeze %dma_start3A_221 : memref<1x128x128xf32, #tpu.memory_space<hbm>> -> memref<128x128xf32, #tpu.memory_space<hbm>>
      tpu.enqueue_dma source(%arg6 : memref<128x128xf32, #tpu.memory_space<vmem>>) target(%dma_start3A_222 : memref<128x128xf32, #tpu.memory_space<hbm>>) target_semaphore(%arg16 : memref<!tpu.dma_semaphore, #tpu.memory_space<semaphore_mem>>)
      %sub3A_223 = arith.constant 5 : i32
      %sub3A_224 = arith.subi %add3A_169, %sub3A_223 : i32
      %add3A_225 = arith.constant 1 : i32
      %add3A_226 = arith.addi %sub3A_224, %add3A_225 : i32
      %dma_wait3A_227 = arith.constant 0 : i32
      %dma_wait3A_228 = tpu.memref_slice %arg5[%add3A_226, %dma_wait3A_227] : memref<200x128xi32, #tpu.memory_space<vmem>> -> memref<1x128xi32, #tpu.memory_space<vmem>>
      %dma_wait3A_229 = tpu.memref_squeeze %dma_wait3A_228 : memref<1x128xi32, #tpu.memory_space<vmem>> -> memref<128xi32, #tpu.memory_space<vmem>>
      %dma_wait3A_230 = arith.constant 0 : i32
      %dma_wait3A_231 = arith.constant 0 : i32
      %dma_wait3A_232 = tpu.memref_slice %arg3[%dma_wait3A_230, %dma_wait3A_231] : memref<1000000x128xf32, #tpu.memory_space<hbm>> -> memref<1000000x128xf32, #tpu.memory_space<hbm>>
      tpu.wait_indirect_dma semaphore(%arg12 : memref<!tpu.dma_semaphore, #tpu.memory_space<semaphore_mem>>) src(%dma_wait3A_232 : memref<1000000x128xf32, #tpu.memory_space<hbm>>) dst(%arg7 : memref<128x128xf32, #tpu.memory_space<vmem>>)
      %sub3A_233 = arith.constant 5 : i32
      %sub3A_234 = arith.subi %add3A_169, %sub3A_233 : i32
      %add3A_235 = arith.constant 1 : i32
      %add3A_236 = arith.addi %sub3A_234, %add3A_235 : i32
      %jit3A_237 = arith.constant 4 : i32
      %div3A_238 = arith.divsi %add3A_236, %jit3A_237 : i32
      %sign3A_239 = arith.constant 0 : i32
      %sign3A_240 = arith.cmpi sgt, %add3A_236, %sign3A_239 : i32
      %sign3A_241 = arith.extui %sign3A_240 : i1 to i32
      %sign3A_242 = arith.constant 0 : i32
      %sign3A_243 = arith.cmpi slt, %add3A_236, %sign3A_242 : i32
      %sign3A_244 = arith.extui %sign3A_243 : i1 to i32
      %sign3A_245 = arith.subi %sign3A_241, %sign3A_244 : i32
      %sign3A_246 = arith.constant 0 : i32
      %sign3A_247 = arith.cmpi sgt, %jit3A_237, %sign3A_246 : i32
      %sign3A_248 = arith.extui %sign3A_247 : i1 to i32
      %sign3A_249 = arith.constant 0 : i32
      %sign3A_250 = arith.cmpi slt, %jit3A_237, %sign3A_249 : i32
      %sign3A_251 = arith.extui %sign3A_250 : i1 to i32
      %sign3A_252 = arith.subi %sign3A_248, %sign3A_251 : i32
      %ne3A_253 = arith.cmpi ne, %sign3A_245, %sign3A_252 : i32
      %rem3A_254 = arith.remsi %add3A_236, %jit3A_237 : i32
      %ne3A_255 = arith.constant 0 : i32
      %ne3A_256 = arith.cmpi ne, %rem3A_254, %ne3A_255 : i32
      %and3A_257 = arith.andi %ne3A_253, %ne3A_256 : i1
      %sub3A_258 = arith.constant 1 : i32
      %sub3A_259 = arith.subi %div3A_238, %sub3A_258 : i32
      %select_n3A_260 = arith.select %and3A_257, %sub3A_259, %div3A_238 : i32
      %jit3A_261 = arith.constant 4 : i32
      %eq3A_262 = arith.constant 0 : i32
      %eq3A_263 = arith.cmpi eq, %jit3A_261, %eq3A_262 : i32
      %jit3A_264 = arith.constant 1 : i32
      %select_n3A_265 = arith.select %eq3A_263, %jit3A_264, %jit3A_261 : i32
      %rem3A_266 = arith.remsi %add3A_236, %select_n3A_265 : i32
      %ne3A_267 = arith.constant 0 : i32
      %ne3A_268 = arith.cmpi ne, %rem3A_266, %ne3A_267 : i32
      %lt3A_269 = arith.constant 0 : i32
      %lt3A_270 = arith.cmpi slt, %rem3A_266, %lt3A_269 : i32
      %lt3A_271 = arith.constant 0 : i32
      %lt3A_272 = arith.cmpi slt, %select_n3A_265, %lt3A_271 : i32
      %ne3A_273 = arith.xori %lt3A_270, %lt3A_272 : i1
      %and3A_274 = arith.andi %ne3A_273, %ne3A_268 : i1
      %add3A_275 = arith.addi %rem3A_266, %select_n3A_265 : i32
      %select_n3A_276 = arith.select %and3A_274, %add3A_275, %rem3A_266 : i32
      %mul3A_277 = arith.constant 128 : i32
      %mul3A_278 = arith.muli %select_n3A_276, %mul3A_277 : i32
      %add3A_279 = arith.addi %mul3A_2, %mul3A_278 : i32
      %dma_start3A_280 = arith.constant 0 : i32
      %dma_start3A_281 = tpu.memref_slice %arg4[%select_n3A_260, %add3A_279, %dma_start3A_280] : memref<50x16384x128xf32, #tpu.memory_space<hbm>> -> memref<1x128x128xf32, #tpu.memory_space<hbm>>
      %dma_start3A_282 = tpu.memref_squeeze %dma_start3A_281 : memref<1x128x128xf32, #tpu.memory_space<hbm>> -> memref<128x128xf32, #tpu.memory_space<hbm>>
      %dma_start3A_283 = arith.constant 0 : i32
      %dma_start3A_284 = tpu.memref_slice %arg4[%select_n3A_260, %add3A_279, %dma_start3A_283] : memref<50x16384x128xf32, #tpu.memory_space<hbm>> -> memref<1x128x128xf32, #tpu.memory_space<hbm>>
      %dma_start3A_285 = tpu.memref_squeeze %dma_start3A_284 : memref<1x128x128xf32, #tpu.memory_space<hbm>> -> memref<128x128xf32, #tpu.memory_space<hbm>>
      tpu.enqueue_dma source(%arg7 : memref<128x128xf32, #tpu.memory_space<vmem>>) target(%dma_start3A_285 : memref<128x128xf32, #tpu.memory_space<hbm>>) target_semaphore(%arg17 : memref<!tpu.dma_semaphore, #tpu.memory_space<semaphore_mem>>)
      %sub3A_286 = arith.constant 5 : i32
      %sub3A_287 = arith.subi %add3A_169, %sub3A_286 : i32
      %add3A_288 = arith.constant 2 : i32
      %add3A_289 = arith.addi %sub3A_287, %add3A_288 : i32
      %dma_wait3A_290 = arith.constant 0 : i32
      %dma_wait3A_291 = tpu.memref_slice %arg5[%add3A_289, %dma_wait3A_290] : memref<200x128xi32, #tpu.memory_space<vmem>> -> memref<1x128xi32, #tpu.memory_space<vmem>>
      %dma_wait3A_292 = tpu.memref_squeeze %dma_wait3A_291 : memref<1x128xi32, #tpu.memory_space<vmem>> -> memref<128xi32, #tpu.memory_space<vmem>>
      %dma_wait3A_293 = arith.constant 0 : i32
      %dma_wait3A_294 = arith.constant 0 : i32
      %dma_wait3A_295 = tpu.memref_slice %arg3[%dma_wait3A_293, %dma_wait3A_294] : memref<1000000x128xf32, #tpu.memory_space<hbm>> -> memref<1000000x128xf32, #tpu.memory_space<hbm>>
      tpu.wait_indirect_dma semaphore(%arg13 : memref<!tpu.dma_semaphore, #tpu.memory_space<semaphore_mem>>) src(%dma_wait3A_295 : memref<1000000x128xf32, #tpu.memory_space<hbm>>) dst(%arg8 : memref<128x128xf32, #tpu.memory_space<vmem>>)
      %sub3A_296 = arith.constant 5 : i32
      %sub3A_297 = arith.subi %add3A_169, %sub3A_296 : i32
      %add3A_298 = arith.constant 2 : i32
      %add3A_299 = arith.addi %sub3A_297, %add3A_298 : i32
      %jit3A_300 = arith.constant 4 : i32
      %div3A_301 = arith.divsi %add3A_299, %jit3A_300 : i32
      %sign3A_302 = arith.constant 0 : i32
      %sign3A_303 = arith.cmpi sgt, %add3A_299, %sign3A_302 : i32
      %sign3A_304 = arith.extui %sign3A_303 : i1 to i32
      %sign3A_305 = arith.constant 0 : i32
      %sign3A_306 = arith.cmpi slt, %add3A_299, %sign3A_305 : i32
      %sign3A_307 = arith.extui %sign3A_306 : i1 to i32
      %sign3A_308 = arith.subi %sign3A_304, %sign3A_307 : i32
      %sign3A_309 = arith.constant 0 : i32
      %sign3A_310 = arith.cmpi sgt, %jit3A_300, %sign3A_309 : i32
      %sign3A_311 = arith.extui %sign3A_310 : i1 to i32
      %sign3A_312 = arith.constant 0 : i32
      %sign3A_313 = arith.cmpi slt, %jit3A_300, %sign3A_312 : i32
      %sign3A_314 = arith.extui %sign3A_313 : i1 to i32
      %sign3A_315 = arith.subi %sign3A_311, %sign3A_314 : i32
      %ne3A_316 = arith.cmpi ne, %sign3A_308, %sign3A_315 : i32
      %rem3A_317 = arith.remsi %add3A_299, %jit3A_300 : i32
      %ne3A_318 = arith.constant 0 : i32
      %ne3A_319 = arith.cmpi ne, %rem3A_317, %ne3A_318 : i32
      %and3A_320 = arith.andi %ne3A_316, %ne3A_319 : i1
      %sub3A_321 = arith.constant 1 : i32
      %sub3A_322 = arith.subi %div3A_301, %sub3A_321 : i32
      %select_n3A_323 = arith.select %and3A_320, %sub3A_322, %div3A_301 : i32
      %jit3A_324 = arith.constant 4 : i32
      %eq3A_325 = arith.constant 0 : i32
      %eq3A_326 = arith.cmpi eq, %jit3A_324, %eq3A_325 : i32
      %jit3A_327 = arith.constant 1 : i32
      %select_n3A_328 = arith.select %eq3A_326, %jit3A_327, %jit3A_324 : i32
      %rem3A_329 = arith.remsi %add3A_299, %select_n3A_328 : i32
      %ne3A_330 = arith.constant 0 : i32
      %ne3A_331 = arith.cmpi ne, %rem3A_329, %ne3A_330 : i32
      %lt3A_332 = arith.constant 0 : i32
      %lt3A_333 = arith.cmpi slt, %rem3A_329, %lt3A_332 : i32
      %lt3A_334 = arith.constant 0 : i32
      %lt3A_335 = arith.cmpi slt, %select_n3A_328, %lt3A_334 : i32
      %ne3A_336 = arith.xori %lt3A_333, %lt3A_335 : i1
      %and3A_337 = arith.andi %ne3A_336, %ne3A_331 : i1
      %add3A_338 = arith.addi %rem3A_329, %select_n3A_328 : i32
      %select_n3A_339 = arith.select %and3A_337, %add3A_338, %rem3A_329 : i32
      %mul3A_340 = arith.constant 128 : i32
      %mul3A_341 = arith.muli %select_n3A_339, %mul3A_340 : i32
      %add3A_342 = arith.addi %mul3A_2, %mul3A_341 : i32
      %dma_start3A_343 = arith.constant 0 : i32
      %dma_start3A_344 = tpu.memref_slice %arg4[%select_n3A_323, %add3A_342, %dma_start3A_343] : memref<50x16384x128xf32, #tpu.memory_space<hbm>> -> memref<1x128x128xf32, #tpu.memory_space<hbm>>
      %dma_start3A_345 = tpu.memref_squeeze %dma_start3A_344 : memref<1x128x128xf32, #tpu.memory_space<hbm>> -> memref<128x128xf32, #tpu.memory_space<hbm>>
      %dma_start3A_346 = arith.constant 0 : i32
      %dma_start3A_347 = tpu.memref_slice %arg4[%select_n3A_323, %add3A_342, %dma_start3A_346] : memref<50x16384x128xf32, #tpu.memory_space<hbm>> -> memref<1x128x128xf32, #tpu.memory_space<hbm>>
      %dma_start3A_348 = tpu.memref_squeeze %dma_start3A_347 : memref<1x128x128xf32, #tpu.memory_space<hbm>> -> memref<128x128xf32, #tpu.memory_space<hbm>>
      tpu.enqueue_dma source(%arg8 : memref<128x128xf32, #tpu.memory_space<vmem>>) target(%dma_start3A_348 : memref<128x128xf32, #tpu.memory_space<hbm>>) target_semaphore(%arg18 : memref<!tpu.dma_semaphore, #tpu.memory_space<semaphore_mem>>)
      %sub3A_349 = arith.constant 5 : i32
      %sub3A_350 = arith.subi %add3A_169, %sub3A_349 : i32
      %add3A_351 = arith.constant 3 : i32
      %add3A_352 = arith.addi %sub3A_350, %add3A_351 : i32
      %dma_wait3A_353 = arith.constant 0 : i32
      %dma_wait3A_354 = tpu.memref_slice %arg5[%add3A_352, %dma_wait3A_353] : memref<200x128xi32, #tpu.memory_space<vmem>> -> memref<1x128xi32, #tpu.memory_space<vmem>>
      %dma_wait3A_355 = tpu.memref_squeeze %dma_wait3A_354 : memref<1x128xi32, #tpu.memory_space<vmem>> -> memref<128xi32, #tpu.memory_space<vmem>>
      %dma_wait3A_356 = arith.constant 0 : i32
      %dma_wait3A_357 = arith.constant 0 : i32
      %dma_wait3A_358 = tpu.memref_slice %arg3[%dma_wait3A_356, %dma_wait3A_357] : memref<1000000x128xf32, #tpu.memory_space<hbm>> -> memref<1000000x128xf32, #tpu.memory_space<hbm>>
      tpu.wait_indirect_dma semaphore(%arg14 : memref<!tpu.dma_semaphore, #tpu.memory_space<semaphore_mem>>) src(%dma_wait3A_358 : memref<1000000x128xf32, #tpu.memory_space<hbm>>) dst(%arg9 : memref<128x128xf32, #tpu.memory_space<vmem>>)
      %sub3A_359 = arith.constant 5 : i32
      %sub3A_360 = arith.subi %add3A_169, %sub3A_359 : i32
      %add3A_361 = arith.constant 3 : i32
      %add3A_362 = arith.addi %sub3A_360, %add3A_361 : i32
      %jit3A_363 = arith.constant 4 : i32
      %div3A_364 = arith.divsi %add3A_362, %jit3A_363 : i32
      %sign3A_365 = arith.constant 0 : i32
      %sign3A_366 = arith.cmpi sgt, %add3A_362, %sign3A_365 : i32
      %sign3A_367 = arith.extui %sign3A_366 : i1 to i32
      %sign3A_368 = arith.constant 0 : i32
      %sign3A_369 = arith.cmpi slt, %add3A_362, %sign3A_368 : i32
      %sign3A_370 = arith.extui %sign3A_369 : i1 to i32
      %sign3A_371 = arith.subi %sign3A_367, %sign3A_370 : i32
      %sign3A_372 = arith.constant 0 : i32
      %sign3A_373 = arith.cmpi sgt, %jit3A_363, %sign3A_372 : i32
      %sign3A_374 = arith.extui %sign3A_373 : i1 to i32
      %sign3A_375 = arith.constant 0 : i32
      %sign3A_376 = arith.cmpi slt, %jit3A_363, %sign3A_375 : i32
      %sign3A_377 = arith.extui %sign3A_376 : i1 to i32
      %sign3A_378 = arith.subi %sign3A_374, %sign3A_377 : i32
      %ne3A_379 = arith.cmpi ne, %sign3A_371, %sign3A_378 : i32
      %rem3A_380 = arith.remsi %add3A_362, %jit3A_363 : i32
      %ne3A_381 = arith.constant 0 : i32
      %ne3A_382 = arith.cmpi ne, %rem3A_380, %ne3A_381 : i32
      %and3A_383 = arith.andi %ne3A_379, %ne3A_382 : i1
      %sub3A_384 = arith.constant 1 : i32
      %sub3A_385 = arith.subi %div3A_364, %sub3A_384 : i32
      %select_n3A_386 = arith.select %and3A_383, %sub3A_385, %div3A_364 : i32
      %jit3A_387 = arith.constant 4 : i32
      %eq3A_388 = arith.constant 0 : i32
      %eq3A_389 = arith.cmpi eq, %jit3A_387, %eq3A_388 : i32
      %jit3A_390 = arith.constant 1 : i32
      %select_n3A_391 = arith.select %eq3A_389, %jit3A_390, %jit3A_387 : i32
      %rem3A_392 = arith.remsi %add3A_362, %select_n3A_391 : i32
      %ne3A_393 = arith.constant 0 : i32
      %ne3A_394 = arith.cmpi ne, %rem3A_392, %ne3A_393 : i32
      %lt3A_395 = arith.constant 0 : i32
      %lt3A_396 = arith.cmpi slt, %rem3A_392, %lt3A_395 : i32
      %lt3A_397 = arith.constant 0 : i32
      %lt3A_398 = arith.cmpi slt, %select_n3A_391, %lt3A_397 : i32
      %ne3A_399 = arith.xori %lt3A_396, %lt3A_398 : i1
      %and3A_400 = arith.andi %ne3A_399, %ne3A_394 : i1
      %add3A_401 = arith.addi %rem3A_392, %select_n3A_391 : i32
      %select_n3A_402 = arith.select %and3A_400, %add3A_401, %rem3A_392 : i32
      %mul3A_403 = arith.constant 128 : i32
      %mul3A_404 = arith.muli %select_n3A_402, %mul3A_403 : i32
      %add3A_405 = arith.addi %mul3A_2, %mul3A_404 : i32
      %dma_start3A_406 = arith.constant 0 : i32
      %dma_start3A_407 = tpu.memref_slice %arg4[%select_n3A_386, %add3A_405, %dma_start3A_406] : memref<50x16384x128xf32, #tpu.memory_space<hbm>> -> memref<1x128x128xf32, #tpu.memory_space<hbm>>
      %dma_start3A_408 = tpu.memref_squeeze %dma_start3A_407 : memref<1x128x128xf32, #tpu.memory_space<hbm>> -> memref<128x128xf32, #tpu.memory_space<hbm>>
      %dma_start3A_409 = arith.constant 0 : i32
      %dma_start3A_410 = tpu.memref_slice %arg4[%select_n3A_386, %add3A_405, %dma_start3A_409] : memref<50x16384x128xf32, #tpu.memory_space<hbm>> -> memref<1x128x128xf32, #tpu.memory_space<hbm>>
      %dma_start3A_411 = tpu.memref_squeeze %dma_start3A_410 : memref<1x128x128xf32, #tpu.memory_space<hbm>> -> memref<128x128xf32, #tpu.memory_space<hbm>>
      tpu.enqueue_dma source(%arg9 : memref<128x128xf32, #tpu.memory_space<vmem>>) target(%dma_start3A_411 : memref<128x128xf32, #tpu.memory_space<hbm>>) target_semaphore(%arg19 : memref<!tpu.dma_semaphore, #tpu.memory_space<semaphore_mem>>)
      %sub3A_412 = arith.constant 5 : i32
      %sub3A_413 = arith.subi %add3A_169, %sub3A_412 : i32
      %add3A_414 = arith.constant 4 : i32
      %add3A_415 = arith.addi %sub3A_413, %add3A_414 : i32
      %dma_wait3A_416 = arith.constant 0 : i32
      %dma_wait3A_417 = tpu.memref_slice %arg5[%add3A_415, %dma_wait3A_416] : memref<200x128xi32, #tpu.memory_space<vmem>> -> memref<1x128xi32, #tpu.memory_space<vmem>>
      %dma_wait3A_418 = tpu.memref_squeeze %dma_wait3A_417 : memref<1x128xi32, #tpu.memory_space<vmem>> -> memref<128xi32, #tpu.memory_space<vmem>>
      %dma_wait3A_419 = arith.constant 0 : i32
      %dma_wait3A_420 = arith.constant 0 : i32
      %dma_wait3A_421 = tpu.memref_slice %arg3[%dma_wait3A_419, %dma_wait3A_420] : memref<1000000x128xf32, #tpu.memory_space<hbm>> -> memref<1000000x128xf32, #tpu.memory_space<hbm>>
      tpu.wait_indirect_dma semaphore(%arg15 : memref<!tpu.dma_semaphore, #tpu.memory_space<semaphore_mem>>) src(%dma_wait3A_421 : memref<1000000x128xf32, #tpu.memory_space<hbm>>) dst(%arg10 : memref<128x128xf32, #tpu.memory_space<vmem>>)
      %sub3A_422 = arith.constant 5 : i32
      %sub3A_423 = arith.subi %add3A_169, %sub3A_422 : i32
      %add3A_424 = arith.constant 4 : i32
      %add3A_425 = arith.addi %sub3A_423, %add3A_424 : i32
      %jit3A_426 = arith.constant 4 : i32
      %div3A_427 = arith.divsi %add3A_425, %jit3A_426 : i32
      %sign3A_428 = arith.constant 0 : i32
      %sign3A_429 = arith.cmpi sgt, %add3A_425, %sign3A_428 : i32
      %sign3A_430 = arith.extui %sign3A_429 : i1 to i32
      %sign3A_431 = arith.constant 0 : i32
      %sign3A_432 = arith.cmpi slt, %add3A_425, %sign3A_431 : i32
      %sign3A_433 = arith.extui %sign3A_432 : i1 to i32
      %sign3A_434 = arith.subi %sign3A_430, %sign3A_433 : i32
      %sign3A_435 = arith.constant 0 : i32
      %sign3A_436 = arith.cmpi sgt, %jit3A_426, %sign3A_435 : i32
      %sign3A_437 = arith.extui %sign3A_436 : i1 to i32
      %sign3A_438 = arith.constant 0 : i32
      %sign3A_439 = arith.cmpi slt, %jit3A_426, %sign3A_438 : i32
      %sign3A_440 = arith.extui %sign3A_439 : i1 to i32
      %sign3A_441 = arith.subi %sign3A_437, %sign3A_440 : i32
      %ne3A_442 = arith.cmpi ne, %sign3A_434, %sign3A_441 : i32
      %rem3A_443 = arith.remsi %add3A_425, %jit3A_426 : i32
      %ne3A_444 = arith.constant 0 : i32
      %ne3A_445 = arith.cmpi ne, %rem3A_443, %ne3A_444 : i32
      %and3A_446 = arith.andi %ne3A_442, %ne3A_445 : i1
      %sub3A_447 = arith.constant 1 : i32
      %sub3A_448 = arith.subi %div3A_427, %sub3A_447 : i32
      %select_n3A_449 = arith.select %and3A_446, %sub3A_448, %div3A_427 : i32
      %jit3A_450 = arith.constant 4 : i32
      %eq3A_451 = arith.constant 0 : i32
      %eq3A_452 = arith.cmpi eq, %jit3A_450, %eq3A_451 : i32
      %jit3A_453 = arith.constant 1 : i32
      %select_n3A_454 = arith.select %eq3A_452, %jit3A_453, %jit3A_450 : i32
      %rem3A_455 = arith.remsi %add3A_425, %select_n3A_454 : i32
      %ne3A_456 = arith.constant 0 : i32
      %ne3A_457 = arith.cmpi ne, %rem3A_455, %ne3A_456 : i32
      %lt3A_458 = arith.constant 0 : i32
      %lt3A_459 = arith.cmpi slt, %rem3A_455, %lt3A_458 : i32
      %lt3A_460 = arith.constant 0 : i32
      %lt3A_461 = arith.cmpi slt, %select_n3A_454, %lt3A_460 : i32
      %ne3A_462 = arith.xori %lt3A_459, %lt3A_461 : i1
      %and3A_463 = arith.andi %ne3A_462, %ne3A_457 : i1
      %add3A_464 = arith.addi %rem3A_455, %select_n3A_454 : i32
      %select_n3A_465 = arith.select %and3A_463, %add3A_464, %rem3A_455 : i32
      %mul3A_466 = arith.constant 128 : i32
      %mul3A_467 = arith.muli %select_n3A_465, %mul3A_466 : i32
      %add3A_468 = arith.addi %mul3A_2, %mul3A_467 : i32
      %dma_start3A_469 = arith.constant 0 : i32
      %dma_start3A_470 = tpu.memref_slice %arg4[%select_n3A_449, %add3A_468, %dma_start3A_469] : memref<50x16384x128xf32, #tpu.memory_space<hbm>> -> memref<1x128x128xf32, #tpu.memory_space<hbm>>
      %dma_start3A_471 = tpu.memref_squeeze %dma_start3A_470 : memref<1x128x128xf32, #tpu.memory_space<hbm>> -> memref<128x128xf32, #tpu.memory_space<hbm>>
      %dma_start3A_472 = arith.constant 0 : i32
      %dma_start3A_473 = tpu.memref_slice %arg4[%select_n3A_449, %add3A_468, %dma_start3A_472] : memref<50x16384x128xf32, #tpu.memory_space<hbm>> -> memref<1x128x128xf32, #tpu.memory_space<hbm>>
      %dma_start3A_474 = tpu.memref_squeeze %dma_start3A_473 : memref<1x128x128xf32, #tpu.memory_space<hbm>> -> memref<128x128xf32, #tpu.memory_space<hbm>>
      tpu.enqueue_dma source(%arg10 : memref<128x128xf32, #tpu.memory_space<vmem>>) target(%dma_start3A_474 : memref<128x128xf32, #tpu.memory_space<hbm>>) target_semaphore(%arg20 : memref<!tpu.dma_semaphore, #tpu.memory_space<semaphore_mem>>)
      %sub3A_475 = arith.constant 5 : i32
      %sub3A_476 = arith.subi %add3A_169, %sub3A_475 : i32
      %add3A_477 = arith.constant 0 : i32
      %add3A_478 = arith.addi %sub3A_476, %add3A_477 : i32
      %jit3A_479 = arith.constant 4 : i32
      %div3A_480 = arith.divsi %add3A_478, %jit3A_479 : i32
      %sign3A_481 = arith.constant 0 : i32
      %sign3A_482 = arith.cmpi sgt, %add3A_478, %sign3A_481 : i32
      %sign3A_483 = arith.extui %sign3A_482 : i1 to i32
      %sign3A_484 = arith.constant 0 : i32
      %sign3A_485 = arith.cmpi slt, %add3A_478, %sign3A_484 : i32
      %sign3A_486 = arith.extui %sign3A_485 : i1 to i32
      %sign3A_487 = arith.subi %sign3A_483, %sign3A_486 : i32
      %sign3A_488 = arith.constant 0 : i32
      %sign3A_489 = arith.cmpi sgt, %jit3A_479, %sign3A_488 : i32
      %sign3A_490 = arith.extui %sign3A_489 : i1 to i32
      %sign3A_491 = arith.constant 0 : i32
      %sign3A_492 = arith.cmpi slt, %jit3A_479, %sign3A_491 : i32
      %sign3A_493 = arith.extui %sign3A_492 : i1 to i32
      %sign3A_494 = arith.subi %sign3A_490, %sign3A_493 : i32
      %ne3A_495 = arith.cmpi ne, %sign3A_487, %sign3A_494 : i32
      %rem3A_496 = arith.remsi %add3A_478, %jit3A_479 : i32
      %ne3A_497 = arith.constant 0 : i32
      %ne3A_498 = arith.cmpi ne, %rem3A_496, %ne3A_497 : i32
      %and3A_499 = arith.andi %ne3A_495, %ne3A_498 : i1
      %sub3A_500 = arith.constant 1 : i32
      %sub3A_501 = arith.subi %div3A_480, %sub3A_500 : i32
      %select_n3A_502 = arith.select %and3A_499, %sub3A_501, %div3A_480 : i32
      %jit3A_503 = arith.constant 4 : i32
      %eq3A_504 = arith.constant 0 : i32
      %eq3A_505 = arith.cmpi eq, %jit3A_503, %eq3A_504 : i32
      %jit3A_506 = arith.constant 1 : i32
      %select_n3A_507 = arith.select %eq3A_505, %jit3A_506, %jit3A_503 : i32
      %rem3A_508 = arith.remsi %add3A_478, %select_n3A_507 : i32
      %ne3A_509 = arith.constant 0 : i32
      %ne3A_510 = arith.cmpi ne, %rem3A_508, %ne3A_509 : i32
      %lt3A_511 = arith.constant 0 : i32
      %lt3A_512 = arith.cmpi slt, %rem3A_508, %lt3A_511 : i32
      %lt3A_513 = arith.constant 0 : i32
      %lt3A_514 = arith.cmpi slt, %select_n3A_507, %lt3A_513 : i32
      %ne3A_515 = arith.xori %lt3A_512, %lt3A_514 : i1
      %and3A_516 = arith.andi %ne3A_515, %ne3A_510 : i1
      %add3A_517 = arith.addi %rem3A_508, %select_n3A_507 : i32
      %select_n3A_518 = arith.select %and3A_516, %add3A_517, %rem3A_508 : i32
      %mul3A_519 = arith.constant 128 : i32
      %mul3A_520 = arith.muli %select_n3A_518, %mul3A_519 : i32
      %add3A_521 = arith.addi %mul3A_2, %mul3A_520 : i32
      %dma_wait3A_522 = arith.constant 0 : i32
      %dma_wait3A_523 = tpu.memref_slice %arg4[%select_n3A_502, %add3A_521, %dma_wait3A_522] : memref<50x16384x128xf32, #tpu.memory_space<hbm>> -> memref<1x128x128xf32, #tpu.memory_space<hbm>>
      %dma_wait3A_524 = tpu.memref_squeeze %dma_wait3A_523 : memref<1x128x128xf32, #tpu.memory_space<hbm>> -> memref<128x128xf32, #tpu.memory_space<hbm>>
      %dma_wait3A_525 = arith.constant 0 : i32
      %dma_wait3A_526 = tpu.memref_slice %arg4[%select_n3A_502, %add3A_521, %dma_wait3A_525] : memref<50x16384x128xf32, #tpu.memory_space<hbm>> -> memref<1x128x128xf32, #tpu.memory_space<hbm>>
      %dma_wait3A_527 = tpu.memref_squeeze %dma_wait3A_526 : memref<1x128x128xf32, #tpu.memory_space<hbm>> -> memref<128x128xf32, #tpu.memory_space<hbm>>
      tpu.wait_dma2 semaphore(%arg16 : memref<!tpu.dma_semaphore, #tpu.memory_space<semaphore_mem>>) src(%arg6 : memref<128x128xf32, #tpu.memory_space<vmem>>) dst(%dma_wait3A_527 : memref<128x128xf32, #tpu.memory_space<hbm>>)
      %add3A_528 = arith.constant 0 : i32
      %add3A_529 = arith.addi %add3A_169, %add3A_528 : i32
      %dma_start3A_530 = arith.constant 0 : i32
      %dma_start3A_531 = tpu.memref_slice %arg5[%add3A_529, %dma_start3A_530] : memref<200x128xi32, #tpu.memory_space<vmem>> -> memref<1x128xi32, #tpu.memory_space<vmem>>
      %dma_start3A_532 = tpu.memref_squeeze %dma_start3A_531 : memref<1x128xi32, #tpu.memory_space<vmem>> -> memref<128xi32, #tpu.memory_space<vmem>>
      %dma_start3A_533 = arith.constant 0 : i32
      %dma_start3A_534 = arith.constant 0 : i32
      %dma_start3A_535 = tpu.memref_slice %arg3[%dma_start3A_533, %dma_start3A_534] : memref<1000000x128xf32, #tpu.memory_space<hbm>> -> memref<1000000x128xf32, #tpu.memory_space<hbm>>
      tpu.enqueue_indirect_dma source(%dma_start3A_535 : memref<1000000x128xf32, #tpu.memory_space<hbm>>) target(%arg6 : memref<128x128xf32, #tpu.memory_space<vmem>>) offsets(%dma_start3A_532 : memref<128xi32, #tpu.memory_space<vmem>>) semaphore(%arg11 : memref<!tpu.dma_semaphore, #tpu.memory_space<semaphore_mem>>)
      %sub3A_536 = arith.constant 5 : i32
      %sub3A_537 = arith.subi %add3A_169, %sub3A_536 : i32
      %add3A_538 = arith.constant 1 : i32
      %add3A_539 = arith.addi %sub3A_537, %add3A_538 : i32
      %jit3A_540 = arith.constant 4 : i32
      %div3A_541 = arith.divsi %add3A_539, %jit3A_540 : i32
      %sign3A_542 = arith.constant 0 : i32
      %sign3A_543 = arith.cmpi sgt, %add3A_539, %sign3A_542 : i32
      %sign3A_544 = arith.extui %sign3A_543 : i1 to i32
      %sign3A_545 = arith.constant 0 : i32
      %sign3A_546 = arith.cmpi slt, %add3A_539, %sign3A_545 : i32
      %sign3A_547 = arith.extui %sign3A_546 : i1 to i32
      %sign3A_548 = arith.subi %sign3A_544, %sign3A_547 : i32
      %sign3A_549 = arith.constant 0 : i32
      %sign3A_550 = arith.cmpi sgt, %jit3A_540, %sign3A_549 : i32
      %sign3A_551 = arith.extui %sign3A_550 : i1 to i32
      %sign3A_552 = arith.constant 0 : i32
      %sign3A_553 = arith.cmpi slt, %jit3A_540, %sign3A_552 : i32
      %sign3A_554 = arith.extui %sign3A_553 : i1 to i32
      %sign3A_555 = arith.subi %sign3A_551, %sign3A_554 : i32
      %ne3A_556 = arith.cmpi ne, %sign3A_548, %sign3A_555 : i32
      %rem3A_557 = arith.remsi %add3A_539, %jit3A_540 : i32
      %ne3A_558 = arith.constant 0 : i32
      %ne3A_559 = arith.cmpi ne, %rem3A_557, %ne3A_558 : i32
      %and3A_560 = arith.andi %ne3A_556, %ne3A_559 : i1
      %sub3A_561 = arith.constant 1 : i32
      %sub3A_562 = arith.subi %div3A_541, %sub3A_561 : i32
      %select_n3A_563 = arith.select %and3A_560, %sub3A_562, %div3A_541 : i32
      %jit3A_564 = arith.constant 4 : i32
      %eq3A_565 = arith.constant 0 : i32
      %eq3A_566 = arith.cmpi eq, %jit3A_564, %eq3A_565 : i32
      %jit3A_567 = arith.constant 1 : i32
      %select_n3A_568 = arith.select %eq3A_566, %jit3A_567, %jit3A_564 : i32
      %rem3A_569 = arith.remsi %add3A_539, %select_n3A_568 : i32
      %ne3A_570 = arith.constant 0 : i32
      %ne3A_571 = arith.cmpi ne, %rem3A_569, %ne3A_570 : i32
      %lt3A_572 = arith.constant 0 : i32
      %lt3A_573 = arith.cmpi slt, %rem3A_569, %lt3A_572 : i32
      %lt3A_574 = arith.constant 0 : i32
      %lt3A_575 = arith.cmpi slt, %select_n3A_568, %lt3A_574 : i32
      %ne3A_576 = arith.xori %lt3A_573, %lt3A_575 : i1
      %and3A_577 = arith.andi %ne3A_576, %ne3A_571 : i1
      %add3A_578 = arith.addi %rem3A_569, %select_n3A_568 : i32
      %select_n3A_579 = arith.select %and3A_577, %add3A_578, %rem3A_569 : i32
      %mul3A_580 = arith.constant 128 : i32
      %mul3A_581 = arith.muli %select_n3A_579, %mul3A_580 : i32
      %add3A_582 = arith.addi %mul3A_2, %mul3A_581 : i32
      %dma_wait3A_583 = arith.constant 0 : i32
      %dma_wait3A_584 = tpu.memref_slice %arg4[%select_n3A_563, %add3A_582, %dma_wait3A_583] : memref<50x16384x128xf32, #tpu.memory_space<hbm>> -> memref<1x128x128xf32, #tpu.memory_space<hbm>>
      %dma_wait3A_585 = tpu.memref_squeeze %dma_wait3A_584 : memref<1x128x128xf32, #tpu.memory_space<hbm>> -> memref<128x128xf32, #tpu.memory_space<hbm>>
      %dma_wait3A_586 = arith.constant 0 : i32
      %dma_wait3A_587 = tpu.memref_slice %arg4[%select_n3A_563, %add3A_582, %dma_wait3A_586] : memref<50x16384x128xf32, #tpu.memory_space<hbm>> -> memref<1x128x128xf32, #tpu.memory_space<hbm>>
      %dma_wait3A_588 = tpu.memref_squeeze %dma_wait3A_587 : memref<1x128x128xf32, #tpu.memory_space<hbm>> -> memref<128x128xf32, #tpu.memory_space<hbm>>
      tpu.wait_dma2 semaphore(%arg17 : memref<!tpu.dma_semaphore, #tpu.memory_space<semaphore_mem>>) src(%arg7 : memref<128x128xf32, #tpu.memory_space<vmem>>) dst(%dma_wait3A_588 : memref<128x128xf32, #tpu.memory_space<hbm>>)
      %add3A_589 = arith.constant 1 : i32
      %add3A_590 = arith.addi %add3A_169, %add3A_589 : i32
      %dma_start3A_591 = arith.constant 0 : i32
      %dma_start3A_592 = tpu.memref_slice %arg5[%add3A_590, %dma_start3A_591] : memref<200x128xi32, #tpu.memory_space<vmem>> -> memref<1x128xi32, #tpu.memory_space<vmem>>
      %dma_start3A_593 = tpu.memref_squeeze %dma_start3A_592 : memref<1x128xi32, #tpu.memory_space<vmem>> -> memref<128xi32, #tpu.memory_space<vmem>>
      %dma_start3A_594 = arith.constant 0 : i32
      %dma_start3A_595 = arith.constant 0 : i32
      %dma_start3A_596 = tpu.memref_slice %arg3[%dma_start3A_594, %dma_start3A_595] : memref<1000000x128xf32, #tpu.memory_space<hbm>> -> memref<1000000x128xf32, #tpu.memory_space<hbm>>
      tpu.enqueue_indirect_dma source(%dma_start3A_596 : memref<1000000x128xf32, #tpu.memory_space<hbm>>) target(%arg7 : memref<128x128xf32, #tpu.memory_space<vmem>>) offsets(%dma_start3A_593 : memref<128xi32, #tpu.memory_space<vmem>>) semaphore(%arg12 : memref<!tpu.dma_semaphore, #tpu.memory_space<semaphore_mem>>)
      %sub3A_597 = arith.constant 5 : i32
      %sub3A_598 = arith.subi %add3A_169, %sub3A_597 : i32
      %add3A_599 = arith.constant 2 : i32
      %add3A_600 = arith.addi %sub3A_598, %add3A_599 : i32
      %jit3A_601 = arith.constant 4 : i32
      %div3A_602 = arith.divsi %add3A_600, %jit3A_601 : i32
      %sign3A_603 = arith.constant 0 : i32
      %sign3A_604 = arith.cmpi sgt, %add3A_600, %sign3A_603 : i32
      %sign3A_605 = arith.extui %sign3A_604 : i1 to i32
      %sign3A_606 = arith.constant 0 : i32
      %sign3A_607 = arith.cmpi slt, %add3A_600, %sign3A_606 : i32
      %sign3A_608 = arith.extui %sign3A_607 : i1 to i32
      %sign3A_609 = arith.subi %sign3A_605, %sign3A_608 : i32
      %sign3A_610 = arith.constant 0 : i32
      %sign3A_611 = arith.cmpi sgt, %jit3A_601, %sign3A_610 : i32
      %sign3A_612 = arith.extui %sign3A_611 : i1 to i32
      %sign3A_613 = arith.constant 0 : i32
      %sign3A_614 = arith.cmpi slt, %jit3A_601, %sign3A_613 : i32
      %sign3A_615 = arith.extui %sign3A_614 : i1 to i32
      %sign3A_616 = arith.subi %sign3A_612, %sign3A_615 : i32
      %ne3A_617 = arith.cmpi ne, %sign3A_609, %sign3A_616 : i32
      %rem3A_618 = arith.remsi %add3A_600, %jit3A_601 : i32
      %ne3A_619 = arith.constant 0 : i32
      %ne3A_620 = arith.cmpi ne, %rem3A_618, %ne3A_619 : i32
      %and3A_621 = arith.andi %ne3A_617, %ne3A_620 : i1
      %sub3A_622 = arith.constant 1 : i32
      %sub3A_623 = arith.subi %div3A_602, %sub3A_622 : i32
      %select_n3A_624 = arith.select %and3A_621, %sub3A_623, %div3A_602 : i32
      %jit3A_625 = arith.constant 4 : i32
      %eq3A_626 = arith.constant 0 : i32
      %eq3A_627 = arith.cmpi eq, %jit3A_625, %eq3A_626 : i32
      %jit3A_628 = arith.constant 1 : i32
      %select_n3A_629 = arith.select %eq3A_627, %jit3A_628, %jit3A_625 : i32
      %rem3A_630 = arith.remsi %add3A_600, %select_n3A_629 : i32
      %ne3A_631 = arith.constant 0 : i32
      %ne3A_632 = arith.cmpi ne, %rem3A_630, %ne3A_631 : i32
      %lt3A_633 = arith.constant 0 : i32
      %lt3A_634 = arith.cmpi slt, %rem3A_630, %lt3A_633 : i32
      %lt3A_635 = arith.constant 0 : i32
      %lt3A_636 = arith.cmpi slt, %select_n3A_629, %lt3A_635 : i32
      %ne3A_637 = arith.xori %lt3A_634, %lt3A_636 : i1
      %and3A_638 = arith.andi %ne3A_637, %ne3A_632 : i1
      %add3A_639 = arith.addi %rem3A_630, %select_n3A_629 : i32
      %select_n3A_640 = arith.select %and3A_638, %add3A_639, %rem3A_630 : i32
      %mul3A_641 = arith.constant 128 : i32
      %mul3A_642 = arith.muli %select_n3A_640, %mul3A_641 : i32
      %add3A_643 = arith.addi %mul3A_2, %mul3A_642 : i32
      %dma_wait3A_644 = arith.constant 0 : i32
      %dma_wait3A_645 = tpu.memref_slice %arg4[%select_n3A_624, %add3A_643, %dma_wait3A_644] : memref<50x16384x128xf32, #tpu.memory_space<hbm>> -> memref<1x128x128xf32, #tpu.memory_space<hbm>>
      %dma_wait3A_646 = tpu.memref_squeeze %dma_wait3A_645 : memref<1x128x128xf32, #tpu.memory_space<hbm>> -> memref<128x128xf32, #tpu.memory_space<hbm>>
      %dma_wait3A_647 = arith.constant 0 : i32
      %dma_wait3A_648 = tpu.memref_slice %arg4[%select_n3A_624, %add3A_643, %dma_wait3A_647] : memref<50x16384x128xf32, #tpu.memory_space<hbm>> -> memref<1x128x128xf32, #tpu.memory_space<hbm>>
      %dma_wait3A_649 = tpu.memref_squeeze %dma_wait3A_648 : memref<1x128x128xf32, #tpu.memory_space<hbm>> -> memref<128x128xf32, #tpu.memory_space<hbm>>
      tpu.wait_dma2 semaphore(%arg18 : memref<!tpu.dma_semaphore, #tpu.memory_space<semaphore_mem>>) src(%arg8 : memref<128x128xf32, #tpu.memory_space<vmem>>) dst(%dma_wait3A_649 : memref<128x128xf32, #tpu.memory_space<hbm>>)
      %add3A_650 = arith.constant 2 : i32
      %add3A_651 = arith.addi %add3A_169, %add3A_650 : i32
      %dma_start3A_652 = arith.constant 0 : i32
      %dma_start3A_653 = tpu.memref_slice %arg5[%add3A_651, %dma_start3A_652] : memref<200x128xi32, #tpu.memory_space<vmem>> -> memref<1x128xi32, #tpu.memory_space<vmem>>
      %dma_start3A_654 = tpu.memref_squeeze %dma_start3A_653 : memref<1x128xi32, #tpu.memory_space<vmem>> -> memref<128xi32, #tpu.memory_space<vmem>>
      %dma_start3A_655 = arith.constant 0 : i32
      %dma_start3A_656 = arith.constant 0 : i32
      %dma_start3A_657 = tpu.memref_slice %arg3[%dma_start3A_655, %dma_start3A_656] : memref<1000000x128xf32, #tpu.memory_space<hbm>> -> memref<1000000x128xf32, #tpu.memory_space<hbm>>
      tpu.enqueue_indirect_dma source(%dma_start3A_657 : memref<1000000x128xf32, #tpu.memory_space<hbm>>) target(%arg8 : memref<128x128xf32, #tpu.memory_space<vmem>>) offsets(%dma_start3A_654 : memref<128xi32, #tpu.memory_space<vmem>>) semaphore(%arg13 : memref<!tpu.dma_semaphore, #tpu.memory_space<semaphore_mem>>)
      %sub3A_658 = arith.constant 5 : i32
      %sub3A_659 = arith.subi %add3A_169, %sub3A_658 : i32
      %add3A_660 = arith.constant 3 : i32
      %add3A_661 = arith.addi %sub3A_659, %add3A_660 : i32
      %jit3A_662 = arith.constant 4 : i32
      %div3A_663 = arith.divsi %add3A_661, %jit3A_662 : i32
      %sign3A_664 = arith.constant 0 : i32
      %sign3A_665 = arith.cmpi sgt, %add3A_661, %sign3A_664 : i32
      %sign3A_666 = arith.extui %sign3A_665 : i1 to i32
      %sign3A_667 = arith.constant 0 : i32
      %sign3A_668 = arith.cmpi slt, %add3A_661, %sign3A_667 : i32
      %sign3A_669 = arith.extui %sign3A_668 : i1 to i32
      %sign3A_670 = arith.subi %sign3A_666, %sign3A_669 : i32
      %sign3A_671 = arith.constant 0 : i32
      %sign3A_672 = arith.cmpi sgt, %jit3A_662, %sign3A_671 : i32
      %sign3A_673 = arith.extui %sign3A_672 : i1 to i32
      %sign3A_674 = arith.constant 0 : i32
      %sign3A_675 = arith.cmpi slt, %jit3A_662, %sign3A_674 : i32
      %sign3A_676 = arith.extui %sign3A_675 : i1 to i32
      %sign3A_677 = arith.subi %sign3A_673, %sign3A_676 : i32
      %ne3A_678 = arith.cmpi ne, %sign3A_670, %sign3A_677 : i32
      %rem3A_679 = arith.remsi %add3A_661, %jit3A_662 : i32
      %ne3A_680 = arith.constant 0 : i32
      %ne3A_681 = arith.cmpi ne, %rem3A_679, %ne3A_680 : i32
      %and3A_682 = arith.andi %ne3A_678, %ne3A_681 : i1
      %sub3A_683 = arith.constant 1 : i32
      %sub3A_684 = arith.subi %div3A_663, %sub3A_683 : i32
      %select_n3A_685 = arith.select %and3A_682, %sub3A_684, %div3A_663 : i32
      %jit3A_686 = arith.constant 4 : i32
      %eq3A_687 = arith.constant 0 : i32
      %eq3A_688 = arith.cmpi eq, %jit3A_686, %eq3A_687 : i32
      %jit3A_689 = arith.constant 1 : i32
      %select_n3A_690 = arith.select %eq3A_688, %jit3A_689, %jit3A_686 : i32
      %rem3A_691 = arith.remsi %add3A_661, %select_n3A_690 : i32
      %ne3A_692 = arith.constant 0 : i32
      %ne3A_693 = arith.cmpi ne, %rem3A_691, %ne3A_692 : i32
      %lt3A_694 = arith.constant 0 : i32
      %lt3A_695 = arith.cmpi slt, %rem3A_691, %lt3A_694 : i32
      %lt3A_696 = arith.constant 0 : i32
      %lt3A_697 = arith.cmpi slt, %select_n3A_690, %lt3A_696 : i32
      %ne3A_698 = arith.xori %lt3A_695, %lt3A_697 : i1
      %and3A_699 = arith.andi %ne3A_698, %ne3A_693 : i1
      %add3A_700 = arith.addi %rem3A_691, %select_n3A_690 : i32
      %select_n3A_701 = arith.select %and3A_699, %add3A_700, %rem3A_691 : i32
      %mul3A_702 = arith.constant 128 : i32
      %mul3A_703 = arith.muli %select_n3A_701, %mul3A_702 : i32
      %add3A_704 = arith.addi %mul3A_2, %mul3A_703 : i32
      %dma_wait3A_705 = arith.constant 0 : i32
      %dma_wait3A_706 = tpu.memref_slice %arg4[%select_n3A_685, %add3A_704, %dma_wait3A_705] : memref<50x16384x128xf32, #tpu.memory_space<hbm>> -> memref<1x128x128xf32, #tpu.memory_space<hbm>>
      %dma_wait3A_707 = tpu.memref_squeeze %dma_wait3A_706 : memref<1x128x128xf32, #tpu.memory_space<hbm>> -> memref<128x128xf32, #tpu.memory_space<hbm>>
      %dma_wait3A_708 = arith.constant 0 : i32
      %dma_wait3A_709 = tpu.memref_slice %arg4[%select_n3A_685, %add3A_704, %dma_wait3A_708] : memref<50x16384x128xf32, #tpu.memory_space<hbm>> -> memref<1x128x128xf32, #tpu.memory_space<hbm>>
      %dma_wait3A_710 = tpu.memref_squeeze %dma_wait3A_709 : memref<1x128x128xf32, #tpu.memory_space<hbm>> -> memref<128x128xf32, #tpu.memory_space<hbm>>
      tpu.wait_dma2 semaphore(%arg19 : memref<!tpu.dma_semaphore, #tpu.memory_space<semaphore_mem>>) src(%arg9 : memref<128x128xf32, #tpu.memory_space<vmem>>) dst(%dma_wait3A_710 : memref<128x128xf32, #tpu.memory_space<hbm>>)
      %add3A_711 = arith.constant 3 : i32
      %add3A_712 = arith.addi %add3A_169, %add3A_711 : i32
      %dma_start3A_713 = arith.constant 0 : i32
      %dma_start3A_714 = tpu.memref_slice %arg5[%add3A_712, %dma_start3A_713] : memref<200x128xi32, #tpu.memory_space<vmem>> -> memref<1x128xi32, #tpu.memory_space<vmem>>
      %dma_start3A_715 = tpu.memref_squeeze %dma_start3A_714 : memref<1x128xi32, #tpu.memory_space<vmem>> -> memref<128xi32, #tpu.memory_space<vmem>>
      %dma_start3A_716 = arith.constant 0 : i32
      %dma_start3A_717 = arith.constant 0 : i32
      %dma_start3A_718 = tpu.memref_slice %arg3[%dma_start3A_716, %dma_start3A_717] : memref<1000000x128xf32, #tpu.memory_space<hbm>> -> memref<1000000x128xf32, #tpu.memory_space<hbm>>
      tpu.enqueue_indirect_dma source(%dma_start3A_718 : memref<1000000x128xf32, #tpu.memory_space<hbm>>) target(%arg9 : memref<128x128xf32, #tpu.memory_space<vmem>>) offsets(%dma_start3A_715 : memref<128xi32, #tpu.memory_space<vmem>>) semaphore(%arg14 : memref<!tpu.dma_semaphore, #tpu.memory_space<semaphore_mem>>)
      %sub3A_719 = arith.constant 5 : i32
      %sub3A_720 = arith.subi %add3A_169, %sub3A_719 : i32
      %add3A_721 = arith.constant 4 : i32
      %add3A_722 = arith.addi %sub3A_720, %add3A_721 : i32
      %jit3A_723 = arith.constant 4 : i32
      %div3A_724 = arith.divsi %add3A_722, %jit3A_723 : i32
      %sign3A_725 = arith.constant 0 : i32
      %sign3A_726 = arith.cmpi sgt, %add3A_722, %sign3A_725 : i32
      %sign3A_727 = arith.extui %sign3A_726 : i1 to i32
      %sign3A_728 = arith.constant 0 : i32
      %sign3A_729 = arith.cmpi slt, %add3A_722, %sign3A_728 : i32
      %sign3A_730 = arith.extui %sign3A_729 : i1 to i32
      %sign3A_731 = arith.subi %sign3A_727, %sign3A_730 : i32
      %sign3A_732 = arith.constant 0 : i32
      %sign3A_733 = arith.cmpi sgt, %jit3A_723, %sign3A_732 : i32
      %sign3A_734 = arith.extui %sign3A_733 : i1 to i32
      %sign3A_735 = arith.constant 0 : i32
      %sign3A_736 = arith.cmpi slt, %jit3A_723, %sign3A_735 : i32
      %sign3A_737 = arith.extui %sign3A_736 : i1 to i32
      %sign3A_738 = arith.subi %sign3A_734, %sign3A_737 : i32
      %ne3A_739 = arith.cmpi ne, %sign3A_731, %sign3A_738 : i32
      %rem3A_740 = arith.remsi %add3A_722, %jit3A_723 : i32
      %ne3A_741 = arith.constant 0 : i32
      %ne3A_742 = arith.cmpi ne, %rem3A_740, %ne3A_741 : i32
      %and3A_743 = arith.andi %ne3A_739, %ne3A_742 : i1
      %sub3A_744 = arith.constant 1 : i32
      %sub3A_745 = arith.subi %div3A_724, %sub3A_744 : i32
      %select_n3A_746 = arith.select %and3A_743, %sub3A_745, %div3A_724 : i32
      %jit3A_747 = arith.constant 4 : i32
      %eq3A_748 = arith.constant 0 : i32
      %eq3A_749 = arith.cmpi eq, %jit3A_747, %eq3A_748 : i32
      %jit3A_750 = arith.constant 1 : i32
      %select_n3A_751 = arith.select %eq3A_749, %jit3A_750, %jit3A_747 : i32
      %rem3A_752 = arith.remsi %add3A_722, %select_n3A_751 : i32
      %ne3A_753 = arith.constant 0 : i32
      %ne3A_754 = arith.cmpi ne, %rem3A_752, %ne3A_753 : i32
      %lt3A_755 = arith.constant 0 : i32
      %lt3A_756 = arith.cmpi slt, %rem3A_752, %lt3A_755 : i32
      %lt3A_757 = arith.constant 0 : i32
      %lt3A_758 = arith.cmpi slt, %select_n3A_751, %lt3A_757 : i32
      %ne3A_759 = arith.xori %lt3A_756, %lt3A_758 : i1
      %and3A_760 = arith.andi %ne3A_759, %ne3A_754 : i1
      %add3A_761 = arith.addi %rem3A_752, %select_n3A_751 : i32
      %select_n3A_762 = arith.select %and3A_760, %add3A_761, %rem3A_752 : i32
      %mul3A_763 = arith.constant 128 : i32
      %mul3A_764 = arith.muli %select_n3A_762, %mul3A_763 : i32
      %add3A_765 = arith.addi %mul3A_2, %mul3A_764 : i32
      %dma_wait3A_766 = arith.constant 0 : i32
      %dma_wait3A_767 = tpu.memref_slice %arg4[%select_n3A_746, %add3A_765, %dma_wait3A_766] : memref<50x16384x128xf32, #tpu.memory_space<hbm>> -> memref<1x128x128xf32, #tpu.memory_space<hbm>>
      %dma_wait3A_768 = tpu.memref_squeeze %dma_wait3A_767 : memref<1x128x128xf32, #tpu.memory_space<hbm>> -> memref<128x128xf32, #tpu.memory_space<hbm>>
      %dma_wait3A_769 = arith.constant 0 : i32
      %dma_wait3A_770 = tpu.memref_slice %arg4[%select_n3A_746, %add3A_765, %dma_wait3A_769] : memref<50x16384x128xf32, #tpu.memory_space<hbm>> -> memref<1x128x128xf32, #tpu.memory_space<hbm>>
      %dma_wait3A_771 = tpu.memref_squeeze %dma_wait3A_770 : memref<1x128x128xf32, #tpu.memory_space<hbm>> -> memref<128x128xf32, #tpu.memory_space<hbm>>
      tpu.wait_dma2 semaphore(%arg20 : memref<!tpu.dma_semaphore, #tpu.memory_space<semaphore_mem>>) src(%arg10 : memref<128x128xf32, #tpu.memory_space<vmem>>) dst(%dma_wait3A_771 : memref<128x128xf32, #tpu.memory_space<hbm>>)
      %add3A_772 = arith.constant 4 : i32
      %add3A_773 = arith.addi %add3A_169, %add3A_772 : i32
      %dma_start3A_774 = arith.constant 0 : i32
      %dma_start3A_775 = tpu.memref_slice %arg5[%add3A_773, %dma_start3A_774] : memref<200x128xi32, #tpu.memory_space<vmem>> -> memref<1x128xi32, #tpu.memory_space<vmem>>
      %dma_start3A_776 = tpu.memref_squeeze %dma_start3A_775 : memref<1x128xi32, #tpu.memory_space<vmem>> -> memref<128xi32, #tpu.memory_space<vmem>>
      %dma_start3A_777 = arith.constant 0 : i32
      %dma_start3A_778 = arith.constant 0 : i32
      %dma_start3A_779 = tpu.memref_slice %arg3[%dma_start3A_777, %dma_start3A_778] : memref<1000000x128xf32, #tpu.memory_space<hbm>> -> memref<1000000x128xf32, #tpu.memory_space<hbm>>
      tpu.enqueue_indirect_dma source(%dma_start3A_779 : memref<1000000x128xf32, #tpu.memory_space<hbm>>) target(%arg10 : memref<128x128xf32, #tpu.memory_space<vmem>>) offsets(%dma_start3A_776 : memref<128xi32, #tpu.memory_space<vmem>>) semaphore(%arg15 : memref<!tpu.dma_semaphore, #tpu.memory_space<semaphore_mem>>)
    }
    %scan3A_40 = arith.constant 39 : i32
    %dma_wait3A = arith.constant 195 : i32
    %dma_wait3A_41 = arith.constant 0 : i32
    %dma_wait3A_42 = tpu.memref_slice %arg5[%dma_wait3A, %dma_wait3A_41] : memref<200x128xi32, #tpu.memory_space<vmem>> -> memref<1x128xi32, #tpu.memory_space<vmem>>
    %dma_wait3A_43 = tpu.memref_squeeze %dma_wait3A_42 : memref<1x128xi32, #tpu.memory_space<vmem>> -> memref<128xi32, #tpu.memory_space<vmem>>
    %dma_wait3A_44 = arith.constant 0 : i32
    %dma_wait3A_45 = arith.constant 0 : i32
    %dma_wait3A_46 = tpu.memref_slice %arg3[%dma_wait3A_44, %dma_wait3A_45] : memref<1000000x128xf32, #tpu.memory_space<hbm>> -> memref<1000000x128xf32, #tpu.memory_space<hbm>>
    tpu.wait_indirect_dma semaphore(%arg11 : memref<!tpu.dma_semaphore, #tpu.memory_space<semaphore_mem>>) src(%dma_wait3A_46 : memref<1000000x128xf32, #tpu.memory_space<hbm>>) dst(%arg6 : memref<128x128xf32, #tpu.memory_space<vmem>>)
    %add3A_47 = arith.constant 384 : i32
    %add3A_48 = arith.addi %mul3A_2, %add3A_47 : i32
    %dma_start3A_49 = arith.constant 48 : i32
    %dma_start3A_50 = arith.constant 0 : i32
    %dma_start3A_51 = tpu.memref_slice %arg4[%dma_start3A_49, %add3A_48, %dma_start3A_50] : memref<50x16384x128xf32, #tpu.memory_space<hbm>> -> memref<1x128x128xf32, #tpu.memory_space<hbm>>
    %dma_start3A_52 = tpu.memref_squeeze %dma_start3A_51 : memref<1x128x128xf32, #tpu.memory_space<hbm>> -> memref<128x128xf32, #tpu.memory_space<hbm>>
    %dma_start3A_53 = arith.constant 0 : i32
    %dma_start3A_54 = tpu.memref_slice %arg4[%dma_start3A_49, %add3A_48, %dma_start3A_53] : memref<50x16384x128xf32, #tpu.memory_space<hbm>> -> memref<1x128x128xf32, #tpu.memory_space<hbm>>
    %dma_start3A_55 = tpu.memref_squeeze %dma_start3A_54 : memref<1x128x128xf32, #tpu.memory_space<hbm>> -> memref<128x128xf32, #tpu.memory_space<hbm>>
    tpu.enqueue_dma source(%arg6 : memref<128x128xf32, #tpu.memory_space<vmem>>) target(%dma_start3A_55 : memref<128x128xf32, #tpu.memory_space<hbm>>) target_semaphore(%arg16 : memref<!tpu.dma_semaphore, #tpu.memory_space<semaphore_mem>>)
    %dma_wait3A_56 = arith.constant 196 : i32
    %dma_wait3A_57 = arith.constant 0 : i32
    %dma_wait3A_58 = tpu.memref_slice %arg5[%dma_wait3A_56, %dma_wait3A_57] : memref<200x128xi32, #tpu.memory_space<vmem>> -> memref<1x128xi32, #tpu.memory_space<vmem>>
    %dma_wait3A_59 = tpu.memref_squeeze %dma_wait3A_58 : memref<1x128xi32, #tpu.memory_space<vmem>> -> memref<128xi32, #tpu.memory_space<vmem>>
    %dma_wait3A_60 = arith.constant 0 : i32
    %dma_wait3A_61 = arith.constant 0 : i32
    %dma_wait3A_62 = tpu.memref_slice %arg3[%dma_wait3A_60, %dma_wait3A_61] : memref<1000000x128xf32, #tpu.memory_space<hbm>> -> memref<1000000x128xf32, #tpu.memory_space<hbm>>
    tpu.wait_indirect_dma semaphore(%arg12 : memref<!tpu.dma_semaphore, #tpu.memory_space<semaphore_mem>>) src(%dma_wait3A_62 : memref<1000000x128xf32, #tpu.memory_space<hbm>>) dst(%arg7 : memref<128x128xf32, #tpu.memory_space<vmem>>)
    %add3A_63 = arith.constant 0 : i32
    %add3A_64 = arith.addi %mul3A_2, %add3A_63 : i32
    %dma_start3A_65 = arith.constant 49 : i32
    %dma_start3A_66 = arith.constant 0 : i32
    %dma_start3A_67 = tpu.memref_slice %arg4[%dma_start3A_65, %add3A_64, %dma_start3A_66] : memref<50x16384x128xf32, #tpu.memory_space<hbm>> -> memref<1x128x128xf32, #tpu.memory_space<hbm>>
    %dma_start3A_68 = tpu.memref_squeeze %dma_start3A_67 : memref<1x128x128xf32, #tpu.memory_space<hbm>> -> memref<128x128xf32, #tpu.memory_space<hbm>>
    %dma_start3A_69 = arith.constant 0 : i32
    %dma_start3A_70 = tpu.memref_slice %arg4[%dma_start3A_65, %add3A_64, %dma_start3A_69] : memref<50x16384x128xf32, #tpu.memory_space<hbm>> -> memref<1x128x128xf32, #tpu.memory_space<hbm>>
    %dma_start3A_71 = tpu.memref_squeeze %dma_start3A_70 : memref<1x128x128xf32, #tpu.memory_space<hbm>> -> memref<128x128xf32, #tpu.memory_space<hbm>>
    tpu.enqueue_dma source(%arg7 : memref<128x128xf32, #tpu.memory_space<vmem>>) target(%dma_start3A_71 : memref<128x128xf32, #tpu.memory_space<hbm>>) target_semaphore(%arg17 : memref<!tpu.dma_semaphore, #tpu.memory_space<semaphore_mem>>)
    %dma_wait3A_72 = arith.constant 197 : i32
    %dma_wait3A_73 = arith.constant 0 : i32
    %dma_wait3A_74 = tpu.memref_slice %arg5[%dma_wait3A_72, %dma_wait3A_73] : memref<200x128xi32, #tpu.memory_space<vmem>> -> memref<1x128xi32, #tpu.memory_space<vmem>>
    %dma_wait3A_75 = tpu.memref_squeeze %dma_wait3A_74 : memref<1x128xi32, #tpu.memory_space<vmem>> -> memref<128xi32, #tpu.memory_space<vmem>>
    %dma_wait3A_76 = arith.constant 0 : i32
    %dma_wait3A_77 = arith.constant 0 : i32
    %dma_wait3A_78 = tpu.memref_slice %arg3[%dma_wait3A_76, %dma_wait3A_77] : memref<1000000x128xf32, #tpu.memory_space<hbm>> -> memref<1000000x128xf32, #tpu.memory_space<hbm>>
    tpu.wait_indirect_dma semaphore(%arg13 : memref<!tpu.dma_semaphore, #tpu.memory_space<semaphore_mem>>) src(%dma_wait3A_78 : memref<1000000x128xf32, #tpu.memory_space<hbm>>) dst(%arg8 : memref<128x128xf32, #tpu.memory_space<vmem>>)
    %add3A_79 = arith.constant 128 : i32
    %add3A_80 = arith.addi %mul3A_2, %add3A_79 : i32
    %dma_start3A_81 = arith.constant 49 : i32
    %dma_start3A_82 = arith.constant 0 : i32
    %dma_start3A_83 = tpu.memref_slice %arg4[%dma_start3A_81, %add3A_80, %dma_start3A_82] : memref<50x16384x128xf32, #tpu.memory_space<hbm>> -> memref<1x128x128xf32, #tpu.memory_space<hbm>>
    %dma_start3A_84 = tpu.memref_squeeze %dma_start3A_83 : memref<1x128x128xf32, #tpu.memory_space<hbm>> -> memref<128x128xf32, #tpu.memory_space<hbm>>
    %dma_start3A_85 = arith.constant 0 : i32
    %dma_start3A_86 = tpu.memref_slice %arg4[%dma_start3A_81, %add3A_80, %dma_start3A_85] : memref<50x16384x128xf32, #tpu.memory_space<hbm>> -> memref<1x128x128xf32, #tpu.memory_space<hbm>>
    %dma_start3A_87 = tpu.memref_squeeze %dma_start3A_86 : memref<1x128x128xf32, #tpu.memory_space<hbm>> -> memref<128x128xf32, #tpu.memory_space<hbm>>
    tpu.enqueue_dma source(%arg8 : memref<128x128xf32, #tpu.memory_space<vmem>>) target(%dma_start3A_87 : memref<128x128xf32, #tpu.memory_space<hbm>>) target_semaphore(%arg18 : memref<!tpu.dma_semaphore, #tpu.memory_space<semaphore_mem>>)
    %dma_wait3A_88 = arith.constant 198 : i32
    %dma_wait3A_89 = arith.constant 0 : i32
    %dma_wait3A_90 = tpu.memref_slice %arg5[%dma_wait3A_88, %dma_wait3A_89] : memref<200x128xi32, #tpu.memory_space<vmem>> -> memref<1x128xi32, #tpu.memory_space<vmem>>
    %dma_wait3A_91 = tpu.memref_squeeze %dma_wait3A_90 : memref<1x128xi32, #tpu.memory_space<vmem>> -> memref<128xi32, #tpu.memory_space<vmem>>
    %dma_wait3A_92 = arith.constant 0 : i32
    %dma_wait3A_93 = arith.constant 0 : i32
    %dma_wait3A_94 = tpu.memref_slice %arg3[%dma_wait3A_92, %dma_wait3A_93] : memref<1000000x128xf32, #tpu.memory_space<hbm>> -> memref<1000000x128xf32, #tpu.memory_space<hbm>>
    tpu.wait_indirect_dma semaphore(%arg14 : memref<!tpu.dma_semaphore, #tpu.memory_space<semaphore_mem>>) src(%dma_wait3A_94 : memref<1000000x128xf32, #tpu.memory_space<hbm>>) dst(%arg9 : memref<128x128xf32, #tpu.memory_space<vmem>>)
    %add3A_95 = arith.constant 256 : i32
    %add3A_96 = arith.addi %mul3A_2, %add3A_95 : i32
    %dma_start3A_97 = arith.constant 49 : i32
    %dma_start3A_98 = arith.constant 0 : i32
    %dma_start3A_99 = tpu.memref_slice %arg4[%dma_start3A_97, %add3A_96, %dma_start3A_98] : memref<50x16384x128xf32, #tpu.memory_space<hbm>> -> memref<1x128x128xf32, #tpu.memory_space<hbm>>
    %dma_start3A_100 = tpu.memref_squeeze %dma_start3A_99 : memref<1x128x128xf32, #tpu.memory_space<hbm>> -> memref<128x128xf32, #tpu.memory_space<hbm>>
    %dma_start3A_101 = arith.constant 0 : i32
    %dma_start3A_102 = tpu.memref_slice %arg4[%dma_start3A_97, %add3A_96, %dma_start3A_101] : memref<50x16384x128xf32, #tpu.memory_space<hbm>> -> memref<1x128x128xf32, #tpu.memory_space<hbm>>
    %dma_start3A_103 = tpu.memref_squeeze %dma_start3A_102 : memref<1x128x128xf32, #tpu.memory_space<hbm>> -> memref<128x128xf32, #tpu.memory_space<hbm>>
    tpu.enqueue_dma source(%arg9 : memref<128x128xf32, #tpu.memory_space<vmem>>) target(%dma_start3A_103 : memref<128x128xf32, #tpu.memory_space<hbm>>) target_semaphore(%arg19 : memref<!tpu.dma_semaphore, #tpu.memory_space<semaphore_mem>>)
    %dma_wait3A_104 = arith.constant 199 : i32
    %dma_wait3A_105 = arith.constant 0 : i32
    %dma_wait3A_106 = tpu.memref_slice %arg5[%dma_wait3A_104, %dma_wait3A_105] : memref<200x128xi32, #tpu.memory_space<vmem>> -> memref<1x128xi32, #tpu.memory_space<vmem>>
    %dma_wait3A_107 = tpu.memref_squeeze %dma_wait3A_106 : memref<1x128xi32, #tpu.memory_space<vmem>> -> memref<128xi32, #tpu.memory_space<vmem>>
    %dma_wait3A_108 = arith.constant 0 : i32
    %dma_wait3A_109 = arith.constant 0 : i32
    %dma_wait3A_110 = tpu.memref_slice %arg3[%dma_wait3A_108, %dma_wait3A_109] : memref<1000000x128xf32, #tpu.memory_space<hbm>> -> memref<1000000x128xf32, #tpu.memory_space<hbm>>
    tpu.wait_indirect_dma semaphore(%arg15 : memref<!tpu.dma_semaphore, #tpu.memory_space<semaphore_mem>>) src(%dma_wait3A_110 : memref<1000000x128xf32, #tpu.memory_space<hbm>>) dst(%arg10 : memref<128x128xf32, #tpu.memory_space<vmem>>)
    %add3A_111 = arith.constant 384 : i32
    %add3A_112 = arith.addi %mul3A_2, %add3A_111 : i32
    %dma_start3A_113 = arith.constant 49 : i32
    %dma_start3A_114 = arith.constant 0 : i32
    %dma_start3A_115 = tpu.memref_slice %arg4[%dma_start3A_113, %add3A_112, %dma_start3A_114] : memref<50x16384x128xf32, #tpu.memory_space<hbm>> -> memref<1x128x128xf32, #tpu.memory_space<hbm>>
    %dma_start3A_116 = tpu.memref_squeeze %dma_start3A_115 : memref<1x128x128xf32, #tpu.memory_space<hbm>> -> memref<128x128xf32, #tpu.memory_space<hbm>>
    %dma_start3A_117 = arith.constant 0 : i32
    %dma_start3A_118 = tpu.memref_slice %arg4[%dma_start3A_113, %add3A_112, %dma_start3A_117] : memref<50x16384x128xf32, #tpu.memory_space<hbm>> -> memref<1x128x128xf32, #tpu.memory_space<hbm>>
    %dma_start3A_119 = tpu.memref_squeeze %dma_start3A_118 : memref<1x128x128xf32, #tpu.memory_space<hbm>> -> memref<128x128xf32, #tpu.memory_space<hbm>>
    tpu.enqueue_dma source(%arg10 : memref<128x128xf32, #tpu.memory_space<vmem>>) target(%dma_start3A_119 : memref<128x128xf32, #tpu.memory_space<hbm>>) target_semaphore(%arg20 : memref<!tpu.dma_semaphore, #tpu.memory_space<semaphore_mem>>)
    %add3A_120 = arith.constant 384 : i32
    %add3A_121 = arith.addi %mul3A_2, %add3A_120 : i32
    %dma_wait3A_122 = arith.constant 48 : i32
    %dma_wait3A_123 = arith.constant 0 : i32
    %dma_wait3A_124 = tpu.memref_slice %arg4[%dma_wait3A_122, %add3A_121, %dma_wait3A_123] : memref<50x16384x128xf32, #tpu.memory_space<hbm>> -> memref<1x128x128xf32, #tpu.memory_space<hbm>>
    %dma_wait3A_125 = tpu.memref_squeeze %dma_wait3A_124 : memref<1x128x128xf32, #tpu.memory_space<hbm>> -> memref<128x128xf32, #tpu.memory_space<hbm>>
    %dma_wait3A_126 = arith.constant 0 : i32
    %dma_wait3A_127 = tpu.memref_slice %arg4[%dma_wait3A_122, %add3A_121, %dma_wait3A_126] : memref<50x16384x128xf32, #tpu.memory_space<hbm>> -> memref<1x128x128xf32, #tpu.memory_space<hbm>>
    %dma_wait3A_128 = tpu.memref_squeeze %dma_wait3A_127 : memref<1x128x128xf32, #tpu.memory_space<hbm>> -> memref<128x128xf32, #tpu.memory_space<hbm>>
    tpu.wait_dma2 semaphore(%arg16 : memref<!tpu.dma_semaphore, #tpu.memory_space<semaphore_mem>>) src(%arg6 : memref<128x128xf32, #tpu.memory_space<vmem>>) dst(%dma_wait3A_128 : memref<128x128xf32, #tpu.memory_space<hbm>>)
    %add3A_129 = arith.constant 0 : i32
    %add3A_130 = arith.addi %mul3A_2, %add3A_129 : i32
    %dma_wait3A_131 = arith.constant 49 : i32
    %dma_wait3A_132 = arith.constant 0 : i32
    %dma_wait3A_133 = tpu.memref_slice %arg4[%dma_wait3A_131, %add3A_130, %dma_wait3A_132] : memref<50x16384x128xf32, #tpu.memory_space<hbm>> -> memref<1x128x128xf32, #tpu.memory_space<hbm>>
    %dma_wait3A_134 = tpu.memref_squeeze %dma_wait3A_133 : memref<1x128x128xf32, #tpu.memory_space<hbm>> -> memref<128x128xf32, #tpu.memory_space<hbm>>
    %dma_wait3A_135 = arith.constant 0 : i32
    %dma_wait3A_136 = tpu.memref_slice %arg4[%dma_wait3A_131, %add3A_130, %dma_wait3A_135] : memref<50x16384x128xf32, #tpu.memory_space<hbm>> -> memref<1x128x128xf32, #tpu.memory_space<hbm>>
    %dma_wait3A_137 = tpu.memref_squeeze %dma_wait3A_136 : memref<1x128x128xf32, #tpu.memory_space<hbm>> -> memref<128x128xf32, #tpu.memory_space<hbm>>
    tpu.wait_dma2 semaphore(%arg17 : memref<!tpu.dma_semaphore, #tpu.memory_space<semaphore_mem>>) src(%arg7 : memref<128x128xf32, #tpu.memory_space<vmem>>) dst(%dma_wait3A_137 : memref<128x128xf32, #tpu.memory_space<hbm>>)
    %add3A_138 = arith.constant 128 : i32
    %add3A_139 = arith.addi %mul3A_2, %add3A_138 : i32
    %dma_wait3A_140 = arith.constant 49 : i32
    %dma_wait3A_141 = arith.constant 0 : i32
    %dma_wait3A_142 = tpu.memref_slice %arg4[%dma_wait3A_140, %add3A_139, %dma_wait3A_141] : memref<50x16384x128xf32, #tpu.memory_space<hbm>> -> memref<1x128x128xf32, #tpu.memory_space<hbm>>
    %dma_wait3A_143 = tpu.memref_squeeze %dma_wait3A_142 : memref<1x128x128xf32, #tpu.memory_space<hbm>> -> memref<128x128xf32, #tpu.memory_space<hbm>>
    %dma_wait3A_144 = arith.constant 0 : i32
    %dma_wait3A_145 = tpu.memref_slice %arg4[%dma_wait3A_140, %add3A_139, %dma_wait3A_144] : memref<50x16384x128xf32, #tpu.memory_space<hbm>> -> memref<1x128x128xf32, #tpu.memory_space<hbm>>
    %dma_wait3A_146 = tpu.memref_squeeze %dma_wait3A_145 : memref<1x128x128xf32, #tpu.memory_space<hbm>> -> memref<128x128xf32, #tpu.memory_space<hbm>>
    tpu.wait_dma2 semaphore(%arg18 : memref<!tpu.dma_semaphore, #tpu.memory_space<semaphore_mem>>) src(%arg8 : memref<128x128xf32, #tpu.memory_space<vmem>>) dst(%dma_wait3A_146 : memref<128x128xf32, #tpu.memory_space<hbm>>)
    %add3A_147 = arith.constant 256 : i32
    %add3A_148 = arith.addi %mul3A_2, %add3A_147 : i32
    %dma_wait3A_149 = arith.constant 49 : i32
    %dma_wait3A_150 = arith.constant 0 : i32
    %dma_wait3A_151 = tpu.memref_slice %arg4[%dma_wait3A_149, %add3A_148, %dma_wait3A_150] : memref<50x16384x128xf32, #tpu.memory_space<hbm>> -> memref<1x128x128xf32, #tpu.memory_space<hbm>>
    %dma_wait3A_152 = tpu.memref_squeeze %dma_wait3A_151 : memref<1x128x128xf32, #tpu.memory_space<hbm>> -> memref<128x128xf32, #tpu.memory_space<hbm>>
    %dma_wait3A_153 = arith.constant 0 : i32
    %dma_wait3A_154 = tpu.memref_slice %arg4[%dma_wait3A_149, %add3A_148, %dma_wait3A_153] : memref<50x16384x128xf32, #tpu.memory_space<hbm>> -> memref<1x128x128xf32, #tpu.memory_space<hbm>>
    %dma_wait3A_155 = tpu.memref_squeeze %dma_wait3A_154 : memref<1x128x128xf32, #tpu.memory_space<hbm>> -> memref<128x128xf32, #tpu.memory_space<hbm>>
    tpu.wait_dma2 semaphore(%arg19 : memref<!tpu.dma_semaphore, #tpu.memory_space<semaphore_mem>>) src(%arg9 : memref<128x128xf32, #tpu.memory_space<vmem>>) dst(%dma_wait3A_155 : memref<128x128xf32, #tpu.memory_space<hbm>>)
    %add3A_156 = arith.constant 384 : i32
    %add3A_157 = arith.addi %mul3A_2, %add3A_156 : i32
    %dma_wait3A_158 = arith.constant 49 : i32
    %dma_wait3A_159 = arith.constant 0 : i32
    %dma_wait3A_160 = tpu.memref_slice %arg4[%dma_wait3A_158, %add3A_157, %dma_wait3A_159] : memref<50x16384x128xf32, #tpu.memory_space<hbm>> -> memref<1x128x128xf32, #tpu.memory_space<hbm>>
    %dma_wait3A_161 = tpu.memref_squeeze %dma_wait3A_160 : memref<1x128x128xf32, #tpu.memory_space<hbm>> -> memref<128x128xf32, #tpu.memory_space<hbm>>
    %dma_wait3A_162 = arith.constant 0 : i32
    %dma_wait3A_163 = tpu.memref_slice %arg4[%dma_wait3A_158, %add3A_157, %dma_wait3A_162] : memref<50x16384x128xf32, #tpu.memory_space<hbm>> -> memref<1x128x128xf32, #tpu.memory_space<hbm>>
    %dma_wait3A_164 = tpu.memref_squeeze %dma_wait3A_163 : memref<1x128x128xf32, #tpu.memory_space<hbm>> -> memref<128x128xf32, #tpu.memory_space<hbm>>
    tpu.wait_dma2 semaphore(%arg20 : memref<!tpu.dma_semaphore, #tpu.memory_space<semaphore_mem>>) src(%arg10 : memref<128x128xf32, #tpu.memory_space<vmem>>) dst(%dma_wait3A_164 : memref<128x128xf32, #tpu.memory_space<hbm>>)
    return
  }
}

module attributes {stable_mosaic.version = 14 : i64} {
  func.func @body(%arg0: i32, %arg1: memref<64x16384xf32, #tpu.memory_space<vmem>>, %arg2: memref<16384x128xf32, #tpu.memory_space<vmem>>) attributes {dimension_semantics = [#tpu.dimension_semantics<arbitrary>], iteration_bounds = array<i64: 62>, scalar_prefetch = 0 : i64, scratch_operands = 0 : i64, tpu.core_type = #tpu.core_type<tc>, window_params = [{transform_indices = @transform_0, window_bounds = array<i64: 64, 16384>}, {transform_indices = @transform_1, window_bounds = array<i64: 16384, 128>}]} {
    %get3A = arith.constant 0 : index
    %get3A_0 = arith.constant 0 : index
    %get3A_1 = vector.load %arg1[%get3A, %get3A_0] : memref<64x16384xf32, #tpu.memory_space<vmem>>, vector<64x16384xf32>
    %transpose3A = tpu.transpose %get3A_1, [1, 0] : vector<64x16384xf32> -> vector<16384x64xf32>
    %swap3A = arith.constant 0 : index
    %swap3A_2 = arith.constant 0 : index
    %swap3A_3 = vector.load %arg2[%swap3A, %swap3A_2] : memref<16384x128xf32, #tpu.memory_space<vmem>>, vector<16384x64xf32>
    tpu.vector_store %arg2[%swap3A, %swap3A_2], %transpose3A {strides = array<i32>} : memref<16384x128xf32, #tpu.memory_space<vmem>>, vector<16384x64xf32>,
    return
  }
  func.func @transform_0(%arg0: i32) -> (i32, i32) {
    %c0_i32 = arith.constant 0 : i32
    %c0_i32_0 = arith.constant 0 : i32
    return %c0_i32, %arg0 : i32, i32
  }
  func.func @transform_1(%arg0: i32) -> (i32, i32) {
    %c0_i32 = arith.constant 0 : i32
    %c0_i32_0 = arith.constant 0 : i32
    return %arg0, %c0_i32 : i32, i32
  }
}

module attributes {stable_mosaic.version = 14 : i64} {
  func.func @body(%arg0: i32, %arg1: i32, %arg2: memref<2x8192x128xf32, #tpu.memory_space<vmem>>, %arg3: memref<128x8192xf32, #tpu.memory_space<vmem>>) attributes {dimension_semantics = [#tpu.dimension_semantics<arbitrary>, #tpu.dimension_semantics<arbitrary>], iteration_bounds = array<i64: 25, 2>, scalar_prefetch = 0 : i64, scratch_operands = 0 : i64, tpu.core_type = #tpu.core_type<tc>, window_params = [{transform_indices = @transform_0, window_bounds = array<i64: 2, 8192, 128>}, {transform_indices = @transform_1, window_bounds = array<i64: 128, 8192>}]} {
    %get3A = arith.constant 0 : index
    %get3A_0 = arith.constant 0 : index
    %get3A_1 = arith.constant 0 : index
    %get3A_2 = vector.load %arg2[%get3A, %get3A_0, %get3A_1] : memref<2x8192x128xf32, #tpu.memory_space<vmem>>, vector<1x8192x64xf32>
    %get3A_3 = vector.shape_cast %get3A_2 : vector<1x8192x64xf32> to vector<8192x64xf32>
    %transpose3A = tpu.transpose %get3A_3, [1, 0] : vector<8192x64xf32> -> vector<64x8192xf32>
    %swap3A = arith.constant 0 : index
    %swap3A_4 = arith.constant 0 : index
    %swap3A_5 = vector.load %arg3[%swap3A, %swap3A_4] : memref<128x8192xf32, #tpu.memory_space<vmem>>, vector<64x8192xf32>
    tpu.vector_store %arg3[%swap3A, %swap3A_4], %transpose3A {strides = array<i32>} : memref<128x8192xf32, #tpu.memory_space<vmem>>, vector<64x8192xf32>,
    %get3A_6 = arith.constant 1 : index
    %get3A_7 = arith.constant 0 : index
    %get3A_8 = arith.constant 0 : index
    %get3A_9 = vector.load %arg2[%get3A_6, %get3A_7, %get3A_8] : memref<2x8192x128xf32, #tpu.memory_space<vmem>>, vector<1x8192x64xf32>
    %get3A_10 = vector.shape_cast %get3A_9 : vector<1x8192x64xf32> to vector<8192x64xf32>
    %transpose3A_11 = tpu.transpose %get3A_10, [1, 0] : vector<8192x64xf32> -> vector<64x8192xf32>
    %swap3A_12 = arith.constant 64 : index
    %swap3A_13 = arith.constant 0 : index
    %swap3A_14 = vector.load %arg3[%swap3A_12, %swap3A_13] : memref<128x8192xf32, #tpu.memory_space<vmem>>, vector<64x8192xf32>
    tpu.vector_store %arg3[%swap3A_12, %swap3A_13], %transpose3A_11 {strides = array<i32>} : memref<128x8192xf32, #tpu.memory_space<vmem>>, vector<64x8192xf32>,
    return
  }
  func.func @transform_0(%arg0: i32, %arg1: i32) -> (i32, i32, i32) {
    %c0_i32 = arith.constant 0 : i32
    %c0_i32_0 = arith.constant 0 : i32
    return %arg0, %arg1, %c0_i32 : i32, i32, i32
  }
  func.func @transform_1(%arg0: i32, %arg1: i32) -> (i32, i32) {
    %c0_i32 = arith.constant 0 : i32
    return %arg0, %arg1 : i32, i32
  }
}

</mosaic_0001>

<sc_bundles>
// kernel: kernel.5.cloned.1.call-start
scs
__scs_entry_jumppad:
0x0: {  	(pc) =	sbr.rel $0x88, $3  }
0x1: {  	(tag) =	ssettag $0x0;
	lr =	simm.s32 $0x1  }
0x2: {  	[smem:$0x3F9F] =	sst lr;
	_ =	strace $0xD0000000  }
0x3: {  	_ = 	snop  }
0x4: {  	_ = 	snop  }
0x5: {  	_ = 	snop  }
0x6: {  	_ = 	snop  }
0x7: {  	_ = 	snop  }
__scs_overlays_trampoline_lowered:
0x8: {  	[smem:$0x3FAE] =	sst s0  }
0x9: {  	[smem:$0x3FAF] =	sst s1  }
0xa: {  	[smem:$0x3FB0] =	sst s2  }
0xb: {  	[smem:$0x3FB1] =	sst s3  }
0xc: {  	[smem:$0x3FB2] =	sst s4  }
0xd: {  	[smem:$0x3FB3] =	sst s5  }
0xe: {  	[smem:$0x3FB4] =	sst s6  }
0xf: {  	[smem:$0x3FB5] =	sst s7  }
0x10: {  	[smem:$0x3FB6] =	sst s8  }
0x11: {  	[smem:$0x3FB7] =	sst s9;
	s0 =	simm.s32 @!p0 $0x0  }
0x12: {  	s1 =	sld [smem:$0x3F9D];
	s0 =	simm.s32 @p0 $0x1  }
0x13: {  	[smem:$0x3FB8] =	sst s0;
	s0 =	simm.s32 @!p1 $0x0  }
0x14: {  	s2 =	sld [smem:$0x3F9C];
	s0 =	simm.s32 @p1 $0x1  }
0x15: {  	[smem:$0x3FB9] =	sst s0;
	s0 =	simm.s32 @!p2 $0x0  }
0x16: {  	s3 =	sld [smem:$0x3FDB];
	s0 =	simm.s32 @p2 $0x1  }
0x17: {  	s4 =	simm.s32 $0x1BF5;
	[smem:$0x3FBB] =	sst s0  }
0x18: {  	s0 =	sld [smem:$0x3F9E];
	_ =	swait.ge [sflag:s4], $0x0  }
0x19: {  	s7 =	sld [smem:$0x3F9F]  }
0x1a: {  	s8 =	sadd.s32 $0xFFFFE003, lr  }
0x1b: {  	s9 =	sadd.s32 $0xFFFFFEF7, lr;
	s5 =	simm.s32 $0xFFFFFFFF;
	p2 =	slt.u32 s8, $0xFFFFF086  }
0x1c: {  	p1 =	slt.u32 s9, $0xF7A;
	s5 =	simm.s32 @!p2 $0x0  }
0x1d: {  	s5 =	simm.s32 @p1 $0x1;
	p0 =	seq.s32 s7, s2  }
0x1e: {  	s7 =	smul.u32 @!p0 $0xF7A, s2;
	p2 =	seq.s32 @!p0 s5, $0x0  }
0x1f: {  	s9 =	smul.u32 $0xF7A, s1;
	s8 =	simm.s32 @!p0 $0x1BF5;
	p2 =	por !p2, p0  }
0x20: {  	[sflag:s8] =	ssyncset.s32 @!p0 $0xFFFFF086;
	s6 =	sadd.s32 @!p0 s3, s7;
	s7 =	simm.s32 @!p0 $0x108  }
0x21: {  	s3 =	sadd.s32 s3, s9;
	s6 =	sadd.s32 @!p0 $0x88, s6;
	s7 =	simm.s32 @p2 $0x1082  }
0x22: {  	[simem:s7], [sflag:s8] =	dma.local @!p0 [hbm:s6], $0xF7A  }
0x23: {  	s9 =	sor.u32 $0xD0000000, s2;
	s6 =	simm.s32 $0x108;
	_ =	swait.ge @!p0 [sflag:s8], $0x0  }
0x24: {  	s3 =	sadd.s32 $0x88, s3;
	s6 =	simm.s32 @!p1 $0x1082;
	[sflag:s4] =	ssyncset.s32 $0xFFFFF086  }
0x25: {  	[simem:s6], [sflag:s4] =	dma.local [hbm:s3], $0xF7A  }
0x26: {  	[smem:$0x3F9F] =	sst s1;
	(tag) =	ssettag s2;
	_ =	strace s9  }
0x27: {  	s1 =	sld [smem:$0x3FAF]  }
0x28: {  	s2 =	sld [smem:$0x3FB0]  }
0x29: {  	s4 =	sld [smem:$0x3FB2]  }
0x2a: {  	p0 =	seq.s32 s5, $0x0;
	s5 =	sld [smem:$0x3FB3]  }
0x2b: {  	s6 =	sld [smem:$0x3FB4]  }
0x2c: {  	s7 =	sld [smem:$0x3FB5]  }
0x2d: {  	s3 =	simm.s32 $0x108;
	s8 =	sld [smem:$0x3FB6]  }
0x2e: {  	s3 =	simm.s32 @!p0 $0x1082;
	s9 =	sld [smem:$0x3FB7]  }
0x2f: {  	lr =	sadd.s32 s0, s3;
	s0 =	sld [smem:$0x3FAE]  }
0x30: {  	s3 =	sld [smem:$0x3FB1]  }
0x31: {  	[smem:$0x3FBA] =	sst s10  }
0x32: {  	s10 =	sld [smem:$0x3FB8];
	_ =	sdelay $0x3  }
0x33: {  	p0 =	seq.s32 s10, $0x1;
	s10 =	sld [smem:$0x3FBA];
	_ =	sdelay $0x3  }
0x34: {  	[smem:$0x3FBA] =	sst s10  }
0x35: {  	s10 =	sld [smem:$0x3FB9];
	_ =	sdelay $0x3  }
0x36: {  	p1 =	seq.s32 s10, $0x1;
	s10 =	sld [smem:$0x3FBA];
	_ =	sdelay $0x3  }
0x37: {  	[smem:$0x3FBA] =	sst s10  }
0x38: {  	s10 =	sld [smem:$0x3FBB]  }
0x39: {  	_ = 	snop;
	(pc) =	sbr.ind lr, $3  }
0x3a: {  	_ = 	snop  }
0x3b: {  	_ = 	snop  }
0x3c: {  	p2 =	seq.s32 s10, $0x1;
	s10 =	sld [smem:$0x3FBA]  }
0x3d: {  	_ =	shalt  }
0x3e: {  	_ =	shalt  }
0x3f: {  	_ =	shalt  }
0x40: {  	_ =	shalt  }
0x41: {  	_ =	shalt  }
0x42: {  	_ =	shalt  }
0x43: {  	_ =	shalt  }
0x44: {  	_ =	shalt  }
0x45: {  	_ =	shalt  }
0x46: {  	_ =	shalt  }
0x47: {  	_ =	shalt  }
0x48: {  	_ =	shalt  }
0x49: {  	_ =	shalt  }
0x4a: {  	_ =	shalt  }
0x4b: {  	_ =	shalt  }
0x4c: {  	_ =	shalt  }
0x4d: {  	_ =	shalt  }
0x4e: {  	_ =	shalt  }
0x4f: {  	_ =	shalt  }
0x50: {  	_ =	shalt  }
0x51: {  	_ =	shalt  }
0x52: {  	_ =	shalt  }
0x53: {  	_ =	shalt  }
0x54: {  	_ =	shalt  }
0x55: {  	_ =	shalt  }
0x56: {  	_ =	shalt  }
0x57: {  	_ =	shalt  }
0x58: {  	_ =	shalt  }
0x59: {  	_ =	shalt  }
0x5a: {  	_ =	shalt  }
0x5b: {  	_ =	shalt  }
0x5c: {  	_ =	shalt  }
0x5d: {  	_ =	shalt  }
0x5e: {  	_ =	shalt  }
0x5f: {  	_ =	shalt  }
0x60: {  	_ =	shalt  }
0x61: {  	_ =	shalt  }
0x62: {  	_ =	shalt  }
0x63: {  	_ =	shalt  }
0x64: {  	_ =	shalt  }
0x65: {  	_ =	shalt  }
0x66: {  	_ =	shalt  }
0x67: {  	_ =	shalt  }
0x68: {  	_ =	shalt  }
0x69: {  	_ =	shalt  }
0x6a: {  	_ =	shalt  }
0x6b: {  	_ =	shalt  }
0x6c: {  	_ =	shalt  }
0x6d: {  	_ =	shalt  }
0x6e: {  	_ =	shalt  }
0x6f: {  	_ =	shalt  }
0x70: {  	_ =	shalt  }
0x71: {  	_ =	shalt  }
0x72: {  	_ =	shalt  }
0x73: {  	_ =	shalt  }
0x74: {  	_ =	shalt  }
0x75: {  	_ =	shalt  }
0x76: {  	_ =	shalt  }
0x77: {  	_ =	shalt  }
0x78: {  	_ =	shalt  }
0x79: {  	_ =	shalt  }
0x7a: {  	_ =	shalt  }
0x7b: {  	_ =	shalt  }
0x7c: {  	_ =	shalt  }
0x7d: {  	_ =	shalt  }
0x7e: {  	_ =	shalt  }
0x7f: {  	_ =	shalt  }
0x80: {  	_ =	shalt  }
0x81: {  	_ =	shalt  }
0x82: {  	_ =	shalt  }
0x83: {  	_ =	shalt  }
0x84: {  	_ =	shalt  }
0x85: {  	_ =	shalt  }
0x86: {  	_ =	shalt  }
0x87: {  	_ =	shalt  }
.Lfunc_end0:
.L_simem_size_0:
called_computation_lowered:
.L_overlay_start_0:
0x88: {  	s2 =	sld [smem:$0x3FD9]  }
0x89: {  	s3 =	sld [smem:$0x3FFE];
	_ =	sdelay $0x1  }
0x8a: {  	s1 =	srdreg.scid  }
0x8b: {  	s0 =	sand.u32 $0x1, s1  }
0x8c: {  	s17 =	sshll.u32 s0, $0xA;
	s2 =	sadd.s32 s3, s2  }
0x8d: {  	s2 =	sadd.s32 s2, s17  }
0x8e: {  	[smem:$0x3FC6] =	sst s2  }
0x8f: {  	_ = 	snop  }
0x90: {  	s2 =	sld [smem:$0x3FD0];
	(tm) =	ssettm $0x1  }
0x91: {  	s18 =	sld [smem:$0x3FFB];
	_ =	sdelay $0x3  }
0x92: {  	_ =	strace s18  }
0x93: {  	s3 =	sld [smem:$0x3FFC];
	_ =	sdelay $0x3  }
0x94: {  	_ =	strace s3  }
0x95: {  	s3 =	sld [smem:$0x3FFD];
	_ =	sdelay $0x3  }
0x96: {  	_ =	strace s3  }
0x97: {  	_ =	strace $0x8FFFFFFF  }
0x98: {  	s19 =	sld [smem:$0x3FDB];
	_ =	sdelay $0x1  }
0x99: {  	s4 =	simm.s32 $_scs_section_size  }
0x9a: {  	s5 =	simm.s32 $_size__tile_overlayer_lowered;
	s6 =	simm.s32 $_tile_overlayer_lowered  }
0x9b: {  	s22 =	simm.s32 $0x1BFF;
	s21 =	sshll.u32 s6, $0x1;
	s3 =	sadd.s32 s4, s19  }
0x9c: {  	s7 =	simm.s32 $0x0;
	s20 =	sshll.u32 s5, $0x1;
	s5 =	sadd.s32 s21, s3  }
0x9d: {  	[timem:s7], [sflag:s22] =	dma.local [hbm:s5], s20  }
0x9e: {  	_ =	swait.ge [sflag:s22], s20  }
0x9f: {  	s4 =	ssub.s32 $0x0, s20;
	[sflag:s22] =	ssyncset.done $0x0  }
0xa0: {  	[sflag:s22] =	ssyncadd.s32 s4;
	_ =	sdelay $0x1  }
0xa1: {  	s23 =	simm.s32 $0x1B8B  }
0xa2: {  	_ =	swait.ge [sflag:s23], $0x1  }
0xa3: {  	[sflag:s23] =	ssyncset.done $0x0  }
0xa4: {  	s25 =	simm.s32 $0x1B8E;
	s24 =	sld [smem:$0x3FFE];
	[sflag:s23] =	ssyncadd.s32 $0xFFFFFFFF  }
0xa5: {  	s26 =	simm.s32 $execute0_lowered;
	[smem:$0x3FD2] =	sst s25  }
0xa6: {  	s5 =	sshll.u32 s26, $0x1;
	_ =	strace $0x80000046;
	[dreg:$0x1] =	wrdreg $0xFFFFFFFF  }
0xa7: {  	s28 =	simm.s32 $_size_execute0_lowered;
	s3 =	sadd.s32 s3, s5;
	[dreg:$0x0] =	wrdreg $0x0  }
0xa8: {  	s5 =	sshll.u32 s28, $0x1;
	[dreg:$0x2] =	wrdreg s3  }
0xa9: {  	[dreg:$0x3] =	wrdreg s5  }
0xaa: {  	[dreg:$0x4] =	wrdreg $0xC0  }
0xab: {  	_ =	task [dreg:s7], $0x5FFFF  }
0xac: {  	[dreg:$0x1] =	wrdreg $0xFFFFFFFF  }
0xad: {  	[dreg:$0x0] =	wrdreg $0x60  }
0xae: {  	[dreg:$0x2] =	wrdreg s2  }
0xaf: {  	[dreg:$0x3] =	wrdreg s24  }
0xb0: {  	[dreg:$0x4] =	wrdreg $0x9  }
0xb1: {  	_ =	task.clear_ibuf [dreg:s7], $0x5FFFF;
	_ =	strace $0x90000046  }
0xb2: {  	s29 =	simm.s32 $0x9;
	_ =	strace $0x80000048  }
0xb3: {  	_ =	swait.ge [sflag:s29], $0x1  }
0xb4: {  	[sflag:s29] =	ssyncadd.s32 $0xFFFFFFFF  }
0xb5: {  	_ =	strace $0x90000048  }
0xb6: {  	_ =	sfence  }
0xb7: {  	s30 =	sld [smem:$0x0];
	_ =	sdelay $0x2  }
0xb8: {  	s31 =	sshll.u32 s1, $0xD;
	s1 =	sshrl.u32 s1, $0x2  }
0xb9: {  	s3 =	sand.u32 $0x4000, s31;
	s1 =	sadd.s32 s1, s30  }
0xba: {  	s0 =	sor.u32 s3, s0;
	s1 =	sshll.u32 s1, $0x11  }
0xbb: {  	s0 =	sor.u32 s1, s0  }
0xbc: {  	s0 =	sadd.s32 $0x8F2B, s0  }
0xbd: {  	[sflag:s0] =	ssyncadd.remote.s32 $0x1  }
0xbe: {  	_ =	sfence.sel $0xFFFF  }
0xbf: {  	[dreg:$0x0] =	wrdreg $0xFFFFFFFF;
	(pc) =	sbr.abs _section_cstart, $3  }
0xc0: {  	[dreg:$0x1] =	wrdreg $0xFFFFFFFF  }
0xc1: {  	_ =	task.clear_ibuf [dreg:s7], $0x2FFFF;
	_ =	strace $0x9FFFFFFF  }
0xc2: {  	(tm) =	ssettm $0x7FFFFFFF  }
0xc3: {  	_ =	shalt  }
tec
execute0_lowered:
.L_overlay_start_1:
0x0: {  	(tag) =	ssettag $0x1  }
0x1: {  	s0 =	rddreg [dreg:$0x0]  }
0x2: {  	s1 =	rddreg [dreg:$0x1];
	s2 =	simm.s32 $0x0;
	s4 =	srdreg.scid  }
0x3: {  	s6 =	stileid.u32;
	s14 =	simm.s32 $0x80;
	s16 =	simm.s32 $0xA400  }
0x4: {  	s28 =	simm.s32 $0x6;
	s5 =	sand.u32 $0x1, s4;
	s6 =	sshll.u32 s6, $0x1  }
0x5: {  	s29 =	simm.s32 $0x7;
	s18 =	ssub.s32 $0x2, s5;
	s5 =	sor.u32 s5, s6  }
0x6: {  	s30 =	simm.s32 $0x8;
	s31 =	simm.s32 $0x9;
	s7 =	smul.u32 $0xC80, s5  }
0x7: {  	[smem:$0x7FF] =	sst s2;
	s4 =	sadd.s32 $0xF42800, s1;
	s8 =	sshll.u32 s5, $0xD  }
0x8: {  	s3 =	sadd.s32 $0x400, s1;
	s20 =	sadd.s32 s8, s4;
	s0 =	sadd.s32 s0, s7  }
0x9: {  	_ =	strace $0x80000047;
	s21 =	sadd.s32 $0xC01800, s20;
	[dreg:$0x3] =	wrdreg s0  }
0xa: {  	s6 =	simm.s32 $0x0;
	s22 =	sadd.s32 $0xC40800, s20;
	[dreg:$0x4] =	wrdreg s21  }
0xb: {  	s19 =	sshrl.u32 s18, $0x1;
	s23 =	sadd.s32 $0xC40000, s20;
	[dreg:$0x5] =	wrdreg s22  }
0xc: {  	s5 =	sshll.u32 s5, $0x9;
	s24 =	sadd.s32 $0xC41000, s20;
	[dreg:$0x6] =	wrdreg s23  }
0xd: {  	s1 =	ssub.s32 s18, s19;
	s25 =	sadd.s32 $0xC41800, s20;
	[dreg:$0x7] =	wrdreg s24  }
0xe: {  	s18 =	simm.s32 $0xE400;
	s26 =	smax.u32 s1, $0x1;
	[dreg:$0x8] =	wrdreg s25  }
0xf: {  	s19 =	simm.s32 $0x12400;
	[dreg:$0x9] =	wrdreg s26;
	s21 =	simm.s32 $0x16400  }
0x10: {  	s22 =	simm.s32 $0x1;
	s23 =	simm.s32 $0x2;
	s24 =	simm.s32 $0x3  }
0x11: {  	s25 =	simm.s32 $0x4;
	s26 =	simm.s32 $0x5;
	s0 =	simm.s32 $0xA  }
.LBB2_1:
0x12: {  	[dreg:$0xa] =	wrdreg s6  }
0x13: {  	s1 =	rddreg [dreg:$0x3];
	s8 =	simm.s32 $0xB  }
0x14: {  	[tilespmem:s2], [sflag:$0xB] =	stream.linear.gather [hbm4b:s1+s2], $0x6400, $0x38;
	[tilespmem:$0x1A400] =	vst v63  }
0x15: {  	_ =	swait.ge [sflag:s8], $0x6400  }
0x16: {  	[sflag:s8] =	ssyncset.done $0x0  }
0x17: {  	s1 =	simm.s32 $0x6400;
	[sflag:s8] =	ssyncadd.s32 $0xFFFF9C00  }
0x18: {  	[tilespmem:s1], [sflag:$0x1] =	stream.indirect.gather [hbm4b:s3+s14], $0x80, s2, s14, $0xb8;
	[tilespmem:$0x1A400] =	vst v63  }
0x19: {  	_ = 	snop  }
0x1a: {  	[tilespmem:s16], [sflag:$0x2] =	stream.indirect.gather [hbm4b:s3+s14], $0x80, s14, s14, $0xb8;
	[tilespmem:$0x1A400] =	vst v63  }
0x1b: {  	s9 =	simm.s32 $0x100  }
0x1c: {  	[tilespmem:s18], [sflag:$0x3] =	stream.indirect.gather [hbm4b:s3+s14], $0x80, s9, s14, $0xb8;
	[tilespmem:$0x1A400] =	vst v63  }
0x1d: {  	s6 =	simm.s32 $0x180;
	s7 =	simm.s32 $0x200  }
0x1e: {  	[tilespmem:s19], [sflag:$0x4] =	stream.indirect.gather [hbm4b:s3+s14], $0x80, s6, s14, $0xb8;
	[tilespmem:$0x1A400] =	vst v63  }
0x1f: {  	s10 =	sand.u32 $0x180, s2;
	s11 =	simm.s32 $0x80;
	s12 =	simm.s32 $0x10000  }
0x20: {  	[tilespmem:s21], [sflag:$0x5] =	stream.indirect.gather [hbm4b:s3+s14], $0x80, s7, s14, $0xb8;
	[tilespmem:$0x1A400] =	vst v63  }
0x21: {  	s15 =	simm.s32 $0x100;
	s8 =	simm.s32 $0x0;
	s7 =	sor.u32 s5, s10  }
0x22: {  	s17 =	simm.s32 $0x20000;
	s8 =	sand.u32 $0xFE00000, s8;
	s7 =	sshll.u32 s7, $0x7  }
0x23: {  	s11 =	sand.u32 $0x180, s11;
	_ =	swait.ge [sflag:s22], $0x4000;
	s8 =	sor.u32 s8, s7  }
0x24: {  	s12 =	sand.u32 $0x3FC0000, s12;
	[sflag:s22] =	ssyncset.done $0x0;
	s8 =	sshrl.u32 s8, $0x3  }
0x25: {  	s20 =	sand.u32 $0x3FC0000, s17;
	[sflag:s22] =	ssyncadd.s32 $0xFFFFC000;
	s8 =	sadd.s32 s4, s8  }
0x26: {  	[hbm4b:s8+s2] =	stream.linear.scatter [tilespmem:s1], [sflag:$0x6], $0x4000, $0x38;
	[tilespmem:$0x1A400] =	vst v63  }
0x27: {  	s11 =	sor.u32 s5, s11;
	s13 =	sadd.s32 s4, s12;
	_ =	swait.ge [sflag:s23], $0x4000  }
0x28: {  	s11 =	sshll.u32 s11, $0x4;
	s9 =	simm.s32 $0x30000;
	[sflag:s23] =	ssyncset.done $0x0  }
0x29: {  	s8 =	sadd.s32 s11, s13;
	s11 =	sand.u32 $0x180, s15;
	[sflag:s23] =	ssyncadd.s32 $0xFFFFC000  }
0x2a: {  	[hbm4b:s8+s2] =	stream.linear.scatter [tilespmem:s16], [sflag:$0x7], $0x4000, $0x38;
	[tilespmem:$0x1A400] =	vst v63  }
0x2b: {  	s9 =	sand.u32 $0x3FC0000, s9;
	s11 =	sor.u32 s5, s11;
	_ =	swait.ge [sflag:s24], $0x4000  }
0x2c: {  	s11 =	sshll.u32 s11, $0x4;
	s8 =	sadd.s32 s4, s20;
	[sflag:s24] =	ssyncset.done $0x0  }
0x2d: {  	s6 =	sand.u32 $0x180, s6;
	s8 =	sadd.s32 s11, s8;
	[sflag:s24] =	ssyncadd.s32 $0xFFFFC000  }
0x2e: {  	[hbm4b:s8+s2] =	stream.linear.scatter [tilespmem:s18], [sflag:$0x8], $0x4000, $0x38;
	[tilespmem:$0x1A400] =	vst v63  }
0x2f: {  	s6 =	sor.u32 s5, s6;
	s10 =	simm.s32 $0x200000;
	_ =	swait.ge [sflag:s25], $0x4000  }
0x30: {  	s6 =	sshll.u32 s6, $0x4;
	s8 =	sadd.s32 s4, s9;
	[sflag:s25] =	ssyncset.done $0x0  }
0x31: {  	s10 =	sand.u32 $0x1FE00000, s10;
	s6 =	sadd.s32 s6, s8;
	[sflag:s25] =	ssyncadd.s32 $0xFFFFC000  }
0x32: {  	[hbm4b:s6+s2] =	stream.linear.scatter [tilespmem:s19], [sflag:$0x9], $0x4000, $0x38;
	[tilespmem:$0x1A400] =	vst v63  }
0x33: {  	s11 =	sor.u32 s10, s7;
	_ =	swait.ge [sflag:s26], $0x4000  }
0x34: {  	s6 =	sshrl.u32 s11, $0x3;
	[sflag:s26] =	ssyncset.done $0x0  }
0x35: {  	s6 =	sadd.s32 s4, s6;
	[sflag:s26] =	ssyncadd.s32 $0xFFFFC000  }
0x36: {  	[hbm4b:s6+s2] =	stream.linear.scatter [tilespmem:s21], [sflag:$0xA], $0x4000, $0x38;
	[tilespmem:$0x1A400] =	vst v63  }
0x37: {  	_ =	swait.ge [sflag:s28], $0x4000  }
0x38: {  	[sflag:s28] =	ssyncset.done $0x0  }
0x39: {  	s12 =	simm.s32 $0x280;
	[sflag:s28] =	ssyncadd.s32 $0xFFFFC000  }
0x3a: {  	[tilespmem:s1], [sflag:$0x1] =	stream.indirect.gather [hbm4b:s3+s14], $0x80, s12, s14, $0xb8;
	[tilespmem:$0x1A400] =	vst v63  }
0x3b: {  	s17 =	simm.s32 $0xA00;
	_ =	swait.ge [sflag:s29], $0x4000  }
0x3c: {  	s13 =	simm.s32 $0x300;
	s15 =	simm.s32 $0x380;
	[sflag:s29] =	ssyncset.done $0x0  }
0x3d: {  	s20 =	simm.s32 $0x480000;
	s7 =	simm.s32 $0x400;
	[sflag:s29] =	ssyncadd.s32 $0xFFFFC000  }
0x3e: {  	[tilespmem:s16], [sflag:$0x2] =	stream.indirect.gather [hbm4b:s3+s14], $0x80, s13, s14, $0xb8;
	[tilespmem:$0x1A400] =	vst v63  }
0x3f: {  	s9 =	simm.s32 $0x80;
	s8 =	simm.s32 $0x1400;
	_ =	swait.ge [sflag:s30], $0x4000  }
0x40: {  	s11 =	simm.s32 $0x0;
	s6 =	simm.s32 $0x80000;
	[sflag:s30] =	ssyncset.done $0x0  }
0x41: {  	s12 =	simm.s32 $0x480;
	s13 =	sand.u32 $0x180, s9;
	[sflag:s30] =	ssyncadd.s32 $0xFFFFC000  }
0x42: {  	[tilespmem:s18], [sflag:$0x3] =	stream.indirect.gather [hbm4b:s3+s14], $0x80, s15, s14, $0xb8;
	[tilespmem:$0x1A400] =	vst v63  }
.LBB2_2:
0x43: {  	s1 =	sadd.s32 $0xFFE00000, s20;
	_ =	swait.ge [sflag:s31], $0x4000  }
0x44: {  	s11 =	sadd.s32 $0x400, s11;
	s10 =	smov.u32 s8;
	s13 =	sor.u32 s5, s13  }
0x45: {  	s1 =	sand.u32 $0xFE00000, s1;
	[sflag:s31] =	ssyncset.done $0x0;
	s13 =	sshll.u32 s13, $0x7  }
0x46: {  	s15 =	sand.u32 $0x1FE00000, s20;
	[sflag:s31] =	ssyncadd.s32 $0xFFFFC000;
	s1 =	sor.u32 s1, s13  }
0x47: {  	[tilespmem:s19], [sflag:$0x4] =	stream.indirect.gather [hbm4b:s3+s14], $0x80, s11, s14, $0xb8;
	[tilespmem:$0x1A400] =	vst v63  }
0x48: {  	s20 =	sadd.s32 $0x280000, s20;
	s1 =	sshrl.u32 s1, $0x3;
	_ =	swait.ge [sflag:s0], $0x4000  }
0x49: {  	s11 =	sor.u32 s15, s13;
	s13 =	sadd.s32 $0xFFFFFF00, s7;
	[sflag:s0] =	ssyncset.done $0x0  }
0x4a: {  	s15 =	simm.s32 $0x6400;
	s11 =	sshrl.u32 s11, $0x3;
	[sflag:s0] =	ssyncadd.s32 $0xFFFFC000  }
0x4b: {  	[tilespmem:s21], [sflag:$0x5] =	stream.indirect.gather [hbm4b:s3+s14], $0x80, s12, s14, $0xb8;
	[tilespmem:$0x1A400] =	vst v63  }
0x4c: {  	s1 =	sadd.s32 s4, s1;
	s13 =	sand.u32 $0x180, s13;
	s12 =	sadd.s32 $0xFFFE0000, s6  }
0x4d: {  	s13 =	sor.u32 s5, s13;
	s12 =	sand.u32 $0x3FC0000, s12;
	_ =	swait.ge [sflag:s22], $0x4000  }
0x4e: {  	s13 =	sshll.u32 s13, $0x4;
	s12 =	sadd.s32 s4, s12;
	[sflag:s22] =	ssyncset.done $0x0  }
0x4f: {  	s12 =	sadd.s32 s13, s12;
	s13 =	sadd.s32 $0xFFFFFF80, s7;
	[sflag:s22] =	ssyncadd.s32 $0xFFFFC000  }
0x50: {  	[hbm4b:s1+s2] =	stream.linear.scatter [tilespmem:s15], [sflag:$0x6], $0x4000, $0x38;
	[tilespmem:$0x1A400] =	vst v63  }
0x51: {  	s13 =	sand.u32 $0x180, s13;
	s1 =	sadd.s32 $0xFFFF0000, s6;
	_ =	swait.ge [sflag:s23], $0x4000  }
0x52: {  	s13 =	sor.u32 s5, s13;
	s1 =	sand.u32 $0x3FC0000, s1;
	[sflag:s23] =	ssyncset.done $0x0  }
0x53: {  	s13 =	sshll.u32 s13, $0x4;
	s1 =	sadd.s32 s4, s1;
	[sflag:s23] =	ssyncadd.s32 $0xFFFFC000  }
0x54: {  	[hbm4b:s12+s2] =	stream.linear.scatter [tilespmem:s16], [sflag:$0x7], $0x4000, $0x38;
	[tilespmem:$0x1A400] =	vst v63  }
0x55: {  	p0 =	sne.s32 s8, $0x17C00;
	s1 =	sadd.s32 s13, s1;
	_ =	swait.ge [sflag:s24], $0x4000  }
0x56: {  	s8 =	sadd.s32 $0xA00, s8;
	s12 =	sand.u32 $0x180, s7;
	[sflag:s24] =	ssyncset.done $0x0  }
0x57: {  	s13 =	sand.u32 $0x3FC0000, s6;
	s12 =	sor.u32 s5, s12;
	[sflag:s24] =	ssyncadd.s32 $0xFFFFC000  }
0x58: {  	[hbm4b:s1+s2] =	stream.linear.scatter [tilespmem:s18], [sflag:$0x8], $0x4000, $0x38;
	[tilespmem:$0x1A400] =	vst v63  }
0x59: {  	s1 =	sshll.u32 s12, $0x4;
	s12 =	sadd.s32 s4, s13;
	_ =	swait.ge [sflag:s25], $0x4000  }
0x5a: {  	s1 =	sadd.s32 s1, s12;
	[sflag:s25] =	ssyncset.done $0x0  }
0x5b: {  	[sflag:s25] =	ssyncadd.s32 $0xFFFFC000  }
0x5c: {  	[hbm4b:s1+s2] =	stream.linear.scatter [tilespmem:s19], [sflag:$0x9], $0x4000, $0x38;
	[tilespmem:$0x1A400] =	vst v63  }
0x5d: {  	s1 =	sadd.s32 s4, s11;
	_ =	swait.ge [sflag:s26], $0x4000  }
0x5e: {  	[sflag:s26] =	ssyncset.done $0x0  }
0x5f: {  	[sflag:s26] =	ssyncadd.s32 $0xFFFFC000  }
0x60: {  	[hbm4b:s1+s2] =	stream.linear.scatter [tilespmem:s21], [sflag:$0xA], $0x4000, $0x38;
	[tilespmem:$0x1A400] =	vst v63  }
0x61: {  	_ =	swait.ge [sflag:s28], $0x4000  }
0x62: {  	s11 =	sshra.s32 s17, $0x2;
	s17 =	smov.u32 s10;
	[sflag:s28] =	ssyncset.done $0x0  }
0x63: {  	s1 =	sadd.s32 $0x280, s11;
	[sflag:s28] =	ssyncadd.s32 $0xFFFFC000  }
0x64: {  	[tilespmem:s15], [sflag:$0x1] =	stream.indirect.gather [hbm4b:s3+s14], $0x80, s1, s14, $0xb8;
	[tilespmem:$0x1A400] =	vst v63  }
0x65: {  	_ =	swait.ge [sflag:s29], $0x4000  }
0x66: {  	[sflag:s29] =	ssyncset.done $0x0  }
0x67: {  	s1 =	sadd.s32 $0x300, s11;
	[sflag:s29] =	ssyncadd.s32 $0xFFFFC000  }
0x68: {  	[tilespmem:s16], [sflag:$0x2] =	stream.indirect.gather [hbm4b:s3+s14], $0x80, s1, s14, $0xb8;
	[tilespmem:$0x1A400] =	vst v63  }
.Ltmp0:
0x69: {  	_ = 	snop;
	(pc) =	sbr.rel @p0 .LBB2_2-.Ltmp0, $4  }
0x6a: {  	s6 =	sadd.s32 $0x50000, s6;
	s7 =	sadd.s32 $0x280, s7;
	_ =	swait.ge [sflag:s30], $0x4000  }
0x6b: {  	s9 =	sadd.s32 $0x80, s9;
	s12 =	sadd.s32 $0x480, s11;
	[sflag:s30] =	ssyncset.done $0x0  }
0x6c: {  	s13 =	sand.u32 $0x180, s9;
	s1 =	sadd.s32 $0x380, s11;
	[sflag:s30] =	ssyncadd.s32 $0xFFFFC000  }
0x6d: {  	[tilespmem:s18], [sflag:$0x3] =	stream.indirect.gather [hbm4b:s3+s14], $0x80, s1, s14, $0xb8;
	[tilespmem:$0x1A400] =	vst v63  }
0x6e: {  	_ =	swait.ge [sflag:s31], $0x4000  }
0x6f: {  	[sflag:s31] =	ssyncset.done $0x0  }
0x70: {  	s1 =	sadd.s32 $0x400, s11;
	s11 =	sadd.s32 $0xFFE00000, s20;
	[sflag:s31] =	ssyncadd.s32 $0xFFFFC000  }
0x71: {  	[tilespmem:s19], [sflag:$0x4] =	stream.indirect.gather [hbm4b:s3+s14], $0x80, s1, s14, $0xb8;
	[tilespmem:$0x1A400] =	vst v63  }
0x72: {  	s8 =	sor.u32 s5, s13;
	s9 =	sadd.s32 $0xFFFFFF00, s7;
	_ =	swait.ge [sflag:s0], $0x4000  }
0x73: {  	s10 =	simm.s32 $0x6400;
	s13 =	sadd.s32 $0xFFFFFF80, s7;
	[sflag:s0] =	ssyncset.done $0x0  }
0x74: {  	s8 =	sshll.u32 s8, $0x7;
	s1 =	sand.u32 $0xFE00000, s11;
	[sflag:s0] =	ssyncadd.s32 $0xFFFFC000  }
0x75: {  	[tilespmem:s21], [sflag:$0x5] =	stream.indirect.gather [hbm4b:s3+s14], $0x80, s12, s14, $0xb8;
	[tilespmem:$0x1A400] =	vst v63  }
0x76: {  	s15 =	sadd.s32 $0xFFFF0000, s6;
	s1 =	sor.u32 s1, s8;
	_ =	swait.ge [sflag:s22], $0x4000  }
0x77: {  	s9 =	sand.u32 $0x180, s9;
	s1 =	sshrl.u32 s1, $0x3;
	[sflag:s22] =	ssyncset.done $0x0  }
0x78: {  	s1 =	sadd.s32 s4, s1;
	s12 =	sadd.s32 $0xFFFE0000, s6;
	[sflag:s22] =	ssyncadd.s32 $0xFFFFC000  }
0x79: {  	[hbm4b:s1+s2] =	stream.linear.scatter [tilespmem:s10], [sflag:$0x6], $0x4000, $0x38;
	[tilespmem:$0x1A400] =	vst v63  }
0x7a: {  	s9 =	sor.u32 s5, s9;
	s1 =	sand.u32 $0x3FC0000, s12;
	_ =	swait.ge [sflag:s23], $0x4000  }
0x7b: {  	s9 =	sshll.u32 s9, $0x4;
	s1 =	sadd.s32 s4, s1;
	[sflag:s23] =	ssyncset.done $0x0  }
0x7c: {  	s1 =	sadd.s32 s9, s1;
	s9 =	sand.u32 $0x180, s13;
	[sflag:s23] =	ssyncadd.s32 $0xFFFFC000  }
0x7d: {  	[hbm4b:s1+s2] =	stream.linear.scatter [tilespmem:s16], [sflag:$0x7], $0x4000, $0x38;
	[tilespmem:$0x1A400] =	vst v63  }
0x7e: {  	s9 =	sor.u32 s5, s9;
	s1 =	sand.u32 $0x3FC0000, s15;
	_ =	swait.ge [sflag:s24], $0x4000  }
0x7f: {  	s9 =	sshll.u32 s9, $0x4;
	s1 =	sadd.s32 s4, s1;
	[sflag:s24] =	ssyncset.done $0x0  }
0x80: {  	s11 =	sand.u32 $0x180, s7;
	s1 =	sadd.s32 s9, s1;
	[sflag:s24] =	ssyncadd.s32 $0xFFFFC000  }
0x81: {  	[hbm4b:s1+s2] =	stream.linear.scatter [tilespmem:s18], [sflag:$0x8], $0x4000, $0x38;
	[tilespmem:$0x1A400] =	vst v63  }
0x82: {  	s12 =	sand.u32 $0x3FC0000, s6;
	s1 =	sor.u32 s5, s11;
	_ =	swait.ge [sflag:s25], $0x4000  }
0x83: {  	s6 =	sadd.s32 s4, s12;
	s1 =	sshll.u32 s1, $0x4;
	[sflag:s25] =	ssyncset.done $0x0  }
0x84: {  	s13 =	sand.u32 $0x1FE00000, s20;
	s1 =	sadd.s32 s1, s6;
	[sflag:s25] =	ssyncadd.s32 $0xFFFFC000  }
0x85: {  	[hbm4b:s1+s2] =	stream.linear.scatter [tilespmem:s19], [sflag:$0x9], $0x4000, $0x38;
	[tilespmem:$0x1A400] =	vst v63  }
0x86: {  	s1 =	sor.u32 s13, s8;
	_ =	swait.ge [sflag:s26], $0x4000  }
0x87: {  	s1 =	sshrl.u32 s1, $0x3;
	[sflag:s26] =	ssyncset.done $0x0  }
0x88: {  	s1 =	sadd.s32 s4, s1;
	[sflag:s26] =	ssyncadd.s32 $0xFFFFC000  }
0x89: {  	[hbm4b:s1+s2] =	stream.linear.scatter [tilespmem:s21], [sflag:$0xA], $0x4000, $0x38;
	[tilespmem:$0x1A400] =	vst v63  }
0x8a: {  	_ =	swait.ge [sflag:s28], $0x4000  }
0x8b: {  	s15 =	sshra.s32 s17, $0x2;
	[sflag:s28] =	ssyncset.done $0x0  }
0x8c: {  	s17 =	sadd.s32 $0x280, s15;
	[sflag:s28] =	ssyncadd.s32 $0xFFFFC000  }
0x8d: {  	[tilespmem:s10], [sflag:$0x1] =	stream.indirect.gather [hbm4b:s3+s14], $0x80, s17, s14, $0xb8;
	[tilespmem:$0x1A400] =	vst v63  }
0x8e: {  	_ =	swait.ge [sflag:s29], $0x4000  }
0x8f: {  	[sflag:s29] =	ssyncset.done $0x0  }
0x90: {  	s20 =	sadd.s32 $0x300, s15;
	[sflag:s29] =	ssyncadd.s32 $0xFFFFC000  }
0x91: {  	[tilespmem:s16], [sflag:$0x2] =	stream.indirect.gather [hbm4b:s3+s14], $0x80, s20, s14, $0xb8;
	[tilespmem:$0x1A400] =	vst v63  }
0x92: {  	_ =	swait.ge [sflag:s30], $0x4000  }
0x93: {  	[sflag:s30] =	ssyncset.done $0x0  }
0x94: {  	s7 =	sadd.s32 $0x380, s15;
	[sflag:s30] =	ssyncadd.s32 $0xFFFFC000  }
0x95: {  	[tilespmem:s18], [sflag:$0x3] =	stream.indirect.gather [hbm4b:s3+s14], $0x80, s7, s14, $0xb8;
	[tilespmem:$0x1A400] =	vst v63  }
0x96: {  	_ =	swait.ge [sflag:s31], $0x4000  }
0x97: {  	[sflag:s31] =	ssyncset.done $0x0  }
0x98: {  	s8 =	sadd.s32 $0x400, s15;
	[sflag:s31] =	ssyncadd.s32 $0xFFFFC000  }
0x99: {  	[tilespmem:s19], [sflag:$0x4] =	stream.indirect.gather [hbm4b:s3+s14], $0x80, s8, s14, $0xb8;
	[tilespmem:$0x1A400] =	vst v63  }
0x9a: {  	_ =	swait.ge [sflag:s0], $0x4000  }
0x9b: {  	[sflag:s0] =	ssyncset.done $0x0  }
0x9c: {  	s1 =	sadd.s32 $0x480, s15;
	[sflag:s0] =	ssyncadd.s32 $0xFFFFC000  }
0x9d: {  	[tilespmem:s21], [sflag:$0x5] =	stream.indirect.gather [hbm4b:s3+s14], $0x80, s1, s14, $0xb8;
	[tilespmem:$0x1A400] =	vst v63  }
0x9e: {  	_ =	swait.ge [sflag:s22], $0x4000  }
0x9f: {  	[sflag:s22] =	ssyncset.done $0x0  }
0xa0: {  	s9 =	rddreg [dreg:$0x4];
	[sflag:s22] =	ssyncadd.s32 $0xFFFFC000  }
0xa1: {  	[hbm4b:s9+s2] =	stream.linear.scatter [tilespmem:s10], [sflag:$0x6], $0x4000, $0x38;
	[tilespmem:$0x1A400] =	vst v63  }
0xa2: {  	_ =	swait.ge [sflag:s23], $0x4000  }
0xa3: {  	[sflag:s23] =	ssyncset.done $0x0  }
0xa4: {  	s11 =	rddreg [dreg:$0x6];
	[sflag:s23] =	ssyncadd.s32 $0xFFFFC000  }
0xa5: {  	[hbm4b:s11+s2] =	stream.linear.scatter [tilespmem:s16], [sflag:$0x7], $0x4000, $0x38;
	[tilespmem:$0x1A400] =	vst v63  }
0xa6: {  	_ =	swait.ge [sflag:s24], $0x4000  }
0xa7: {  	[sflag:s24] =	ssyncset.done $0x0  }
0xa8: {  	s12 =	rddreg [dreg:$0x5];
	[sflag:s24] =	ssyncadd.s32 $0xFFFFC000  }
0xa9: {  	[hbm4b:s12+s2] =	stream.linear.scatter [tilespmem:s18], [sflag:$0x8], $0x4000, $0x38;
	[tilespmem:$0x1A400] =	vst v63  }
0xaa: {  	_ =	swait.ge [sflag:s25], $0x4000  }
0xab: {  	[sflag:s25] =	ssyncset.done $0x0  }
0xac: {  	s13 =	rddreg [dreg:$0x7];
	[sflag:s25] =	ssyncadd.s32 $0xFFFFC000  }
0xad: {  	[hbm4b:s13+s2] =	stream.linear.scatter [tilespmem:s19], [sflag:$0x9], $0x4000, $0x38;
	[tilespmem:$0x1A400] =	vst v63  }
0xae: {  	_ =	swait.ge [sflag:s26], $0x4000  }
0xaf: {  	[sflag:s26] =	ssyncset.done $0x0  }
0xb0: {  	s15 =	rddreg [dreg:$0x8];
	[sflag:s26] =	ssyncadd.s32 $0xFFFFC000  }
0xb1: {  	[hbm4b:s15+s2] =	stream.linear.scatter [tilespmem:s21], [sflag:$0xA], $0x4000, $0x38;
	[tilespmem:$0x1A400] =	vst v63  }
0xb2: {  	_ =	swait.ge [sflag:s28], $0x4000  }
0xb3: {  	[sflag:s28] =	ssyncset.done $0x0  }
0xb4: {  	[sflag:s28] =	ssyncadd.s32 $0xFFFFC000  }
0xb5: {  	_ =	swait.ge [sflag:s29], $0x4000  }
0xb6: {  	[sflag:s29] =	ssyncset.done $0x0  }
0xb7: {  	[sflag:s29] =	ssyncadd.s32 $0xFFFFC000  }
0xb8: {  	_ =	swait.ge [sflag:s30], $0x4000  }
0xb9: {  	[sflag:s30] =	ssyncset.done $0x0  }
0xba: {  	[sflag:s30] =	ssyncadd.s32 $0xFFFFC000  }
0xbb: {  	_ =	swait.ge [sflag:s31], $0x4000  }
0xbc: {  	[sflag:s31] =	ssyncset.done $0x0  }
0xbd: {  	[sflag:s31] =	ssyncadd.s32 $0xFFFFC000  }
0xbe: {  	_ =	swait.ge [sflag:s0], $0x4000  }
0xbf: {  	s17 =	rddreg [dreg:$0xa]  }
0xc0: {  	s20 =	rddreg [dreg:$0x9];
	s6 =	sadd.s32 $0x1, s17  }
0xc1: {  	p0 =	sne.s32 s6, s20  }
.Ltmp1:
0xc2: {  	_ = 	snop;
	(pc) =	sbr.rel @p0 .LBB2_1-.Ltmp1, $3  }
0xc3: {  	_ =	sdelay $0x1  }
0xc4: {  	[sflag:s0] =	ssyncset.done $0x0  }
0xc5: {  	[sflag:s0] =	ssyncadd.s32 $0xFFFFC000  }
0xc6: {  	_ =	sfence.sel $0x180000  }
0xc7: {  	[bflag:$0x0] =	sbarrier.arrive $0xFFFF  }
0xc8: {  	_ =	strace $0x90000047  }
0xc9: {  	s0 =	stileid.u32;
	[bflag:$0x2] =	sbarrier.arrive $0xFFFF  }
0xca: {  	p0 =	sne.s32 s0, $0x0;
	s0 =	rddreg [dreg:$0x2]  }
0xcb: {  	s0 =	sadd.s32 @!p0 $0x100000, s0  }
0xcc: {  	[sflag:s0] =	ssyncadd.tile.s32 @!p0 $0x1;
	_ =	shalt  }
.Lfunc_end2:
_tile_overlayer_lowered:
.L_overlay_start_2:
0xcd: {  	(tag) =	ssettag $0x2  }
0xce: {  	s0 =	rddreg [dreg:$0x0];
	s2 =	stileid.u32  }
0xcf: {  	s1 =	rddreg [dreg:$0x1];
	p0 =	sne.s32 s2, $0x0  }
0xd0: {  	s3 =	rddreg [dreg:$0x2];
	[bflag:$0x3] =	sbarrier.arrive $0xFFFF;
	s2 =	simm.s32 @!p0 $0x1C0B  }
0xd1: {  	[timem:s3], [sflag:s2] =	dma.local @!p0 [hbm:s0], s1  }
0xd2: {  	s0 =	simm.s32 @!p0 $0xB  }
0xd3: {  	_ =	swait.ge @!p0 [sflag:s0], s1  }
0xd4: {  	s1 =	ssub.s32 @!p0 $0x0, s1;
	[sflag:s0] =	ssyncset.done @!p0 $0x0  }
0xd5: {  	[sflag:s0] =	ssyncadd.s32 @!p0 s1  }
0xd6: {  	[bflag:$0x3] =	sbarrier.arrive $0xFFFF  }
0xd7: {  	_ =	shalt  }

</sc_bundles>
